<compile_context>
chip_gen: v7x
topology: tpu7x:2x2x1
jax: 0.10.2.dev20260603
libtpu: 0.0.44.dev20260713+nightly
codegen_flags: <defaults>
</compile_context>

<pallas_src>
import functools

import jax
import jax.numpy as jnp
from jax import lax
from jax.experimental import pallas as pl
from jax.experimental.pallas import tpu as pltpu
from jax.experimental.pallas import tpu_sc as plsc

_NUM_ENTITY = 100000
_NUM_NEIGHBOR = 16
_BATCH = 4096
_NUM_CORES = 2
_NUM_SUBCORES = 16
_NUM_WORKERS = _NUM_CORES * _NUM_SUBCORES
_SEEDS_PER_W = _BATCH // _NUM_WORKERS
_HOP2_PER_W = _SEEDS_PER_W * _NUM_NEIGHBOR
_i32 = jnp.int32


_NBLK = _NUM_ENTITY // 128
_NBLK2 = 2 * _NBLK
_BLK_PER_W = (_NBLK2 + _NUM_WORKERS - 1) // _NUM_WORKERS
_LROWS = _NUM_ENTITY * _NUM_NEIGHBOR // 128
_TCOL = _NBLK * 128
_TAIL = _NUM_ENTITY - _TCOL


_SB = 512
_NSB = _NBLK // (_SB // 128)
_SB_PER_W = (_NSB + _NUM_SUBCORES - 1) // _NUM_SUBCORES


def _dt_body(t_e_hbm, t_r_hbm, o_e, o_r,
             slab_v, stage_v, bslab_v, bstage_v, tslab_v, tstage_v, sem):
    def _do_super(sb, src, dst):
        pltpu.sync_copy(src.at[:, pl.ds(sb * _SB, _SB)], slab_v)

        @plsc.parallel_loop(0, _SB, unroll=8)
        def _row(r):
            v = plsc.load_gather(
                slab_v,
                [lax.iota(_i32, 16), jnp.full((16,), r, _i32)])
            stage_v[r // 8, pl.ds((r % 8) * 16, 16)] = v

        pltpu.sync_copy(stage_v, dst.at[pl.ds(sb * (_SB // 8), _SB // 8), :])

    def _do_block(cb, src, dst):
        pltpu.sync_copy(src.at[:, pl.ds(cb * 128, 128)], bslab_v)

        @plsc.parallel_loop(0, 128, unroll=8)
        def _row(r):
            v = plsc.load_gather(
                bslab_v,
                [lax.iota(_i32, 16), jnp.full((16,), r, _i32)])
            bstage_v[r // 8, pl.ds((r % 8) * 16, 16)] = v

        pltpu.sync_copy(bstage_v, dst.at[pl.ds(cb * 16, 16), :])

    cid = lax.axis_index("c")
    sid = lax.axis_index("s")

    def _table_loop(src_hbm, dst_hbm):
        def _sbk(k, _):
            sb = k * _NUM_SUBCORES + sid

            @pl.when(sb < _NSB)
            def _():
                _do_super(sb, src_hbm, dst_hbm)

            return 0

        lax.fori_loop(0, _SB_PER_W, _sbk, 0)

        @pl.when(sid == 15)
        def _():
            _do_block(_NBLK - 1, src_hbm, dst_hbm)

    @pl.when(cid == 0)
    def _():
        _table_loop(t_e_hbm, o_e)

    @pl.when(cid == 1)
    def _():
        _table_loop(t_r_hbm, o_r)

    def _do_tail(src, dst):
        pltpu.sync_copy(src.at[:, pl.ds(_TCOL, _TAIL)], tslab_v)

        @plsc.parallel_loop(0, _TAIL, unroll=8)
        def _trow(r):
            v = plsc.load_gather(
                tslab_v,
                [lax.iota(_i32, 16), jnp.full((16,), r, _i32)])
            tstage_v[r // 8, pl.ds((r % 8) * 16, 16)] = v
        pltpu.sync_copy(tstage_v, dst.at[pl.ds(_LROWS - _TAIL // 8, _TAIL // 8), :])

    @pl.when(jnp.logical_and(cid == 0, sid == 14))
    def _():
        _do_tail(t_e_hbm, o_e)

    @pl.when(jnp.logical_and(cid == 1, sid == 14))
    def _():
        _do_tail(t_r_hbm, o_r)


_dt_call = functools.partial(
    pl.kernel,
    out_type=(
        jax.ShapeDtypeStruct((_LROWS, 128), _i32),
        jax.ShapeDtypeStruct((_LROWS, 128), _i32),
    ),
    mesh=plsc.VectorSubcoreMesh(core_axis_name="c", subcore_axis_name="s",
                                num_cores=_NUM_CORES,
                                num_subcores=_NUM_SUBCORES),
    compiler_params=pltpu.CompilerParams(use_tc_tiling_on_sc=True,
                                         needs_layout_passes=False),
    scratch_types=[
        pltpu.VMEM((16, _SB), _i32),
        pltpu.VMEM((_SB // 8, 128), _i32),
        pltpu.VMEM((16, 128), _i32),
        pltpu.VMEM((16, 128), _i32),
        pltpu.VMEM((16, _TAIL), _i32),
        pltpu.VMEM((_TAIL // 8, 128), _i32),
        pltpu.SemaphoreType.DMA,
    ],
)(_dt_body)




def _rf_body(seeds_hbm, adj_e_hbm, adj_r_hbm,
             o_e1, o_r1, o_e2, o_r2,
             seed_v, e1_v, r1_v, idx2_v, e2_v, r2_v,
             sem_e1, sem_r1, sem_e2, sem_r2):
    wid = lax.axis_index("s") * _NUM_CORES + lax.axis_index("c")
    base = wid * _SEEDS_PER_W

    pltpu.sync_copy(seeds_hbm.at[pl.ds(base, _SEEDS_PER_W)], seed_v)

    c_e1 = pltpu.async_copy(adj_e_hbm.at[seed_v], e1_v, sem_e1)
    c_r1 = pltpu.async_copy(adj_r_hbm.at[seed_v], r1_v, sem_r1)
    c_e1.wait()

    def _flat(i, _):
        idx2_v[pl.ds(i * _NUM_NEIGHBOR, _NUM_NEIGHBOR)] = e1_v[i, :]
        return 0

    lax.fori_loop(0, _SEEDS_PER_W, _flat, 0)

    c_e2 = pltpu.async_copy(adj_e_hbm.at[idx2_v], e2_v, sem_e2)
    c_r2 = pltpu.async_copy(adj_r_hbm.at[idx2_v], r2_v, sem_r2)

    pltpu.sync_copy(e1_v, o_e1.at[pl.ds(base, _SEEDS_PER_W)])
    c_r1.wait()
    pltpu.sync_copy(r1_v, o_r1.at[pl.ds(base, _SEEDS_PER_W)])

    c_e2.wait()
    pltpu.sync_copy(e2_v, o_e2.at[pl.ds(wid * _HOP2_PER_W, _HOP2_PER_W)])
    c_r2.wait()
    pltpu.sync_copy(r2_v, o_r2.at[pl.ds(wid * _HOP2_PER_W, _HOP2_PER_W)])


_N_HOP2 = _BATCH * _NUM_NEIGHBOR
_rf_call = functools.partial(
    pl.kernel,
    out_type=(
        jax.ShapeDtypeStruct((_BATCH, _NUM_NEIGHBOR), _i32),
        jax.ShapeDtypeStruct((_BATCH, _NUM_NEIGHBOR), _i32),
        jax.ShapeDtypeStruct((_N_HOP2, _NUM_NEIGHBOR), _i32),
        jax.ShapeDtypeStruct((_N_HOP2, _NUM_NEIGHBOR), _i32),
    ),
    mesh=plsc.VectorSubcoreMesh(core_axis_name="c", subcore_axis_name="s",
                                num_cores=_NUM_CORES,
                                num_subcores=_NUM_SUBCORES),
    compiler_params=pltpu.CompilerParams(use_tc_tiling_on_sc=False),
    scratch_types=[
        pltpu.VMEM((_SEEDS_PER_W,), _i32),
        pltpu.VMEM((_SEEDS_PER_W, _NUM_NEIGHBOR), _i32),
        pltpu.VMEM((_SEEDS_PER_W, _NUM_NEIGHBOR), _i32),
        pltpu.VMEM((_HOP2_PER_W,), _i32),
        pltpu.VMEM((_HOP2_PER_W, _NUM_NEIGHBOR), _i32),
        pltpu.VMEM((_HOP2_PER_W, _NUM_NEIGHBOR), _i32),
        pltpu.SemaphoreType.DMA,
        pltpu.SemaphoreType.DMA,
        pltpu.SemaphoreType.DMA,
        pltpu.SemaphoreType.DMA,
    ],
)(_rf_body)


def kernel(inputs, adj_entity, adj_relation):
    seeds = inputs.reshape(_BATCH)
    lin_e, lin_r = _dt_call(jnp.swapaxes(adj_entity, 0, 1),
                            jnp.swapaxes(adj_relation, 0, 1))
    tab_e = lin_e.reshape(_NUM_ENTITY, _NUM_NEIGHBOR)
    tab_r = lin_r.reshape(_NUM_ENTITY, _NUM_NEIGHBOR)
    e1, r1, e2, r2 = _rf_call(seeds, tab_e, tab_r)
    n2 = _NUM_NEIGHBOR * _NUM_NEIGHBOR
    return (
        (inputs, e1, e2.reshape(_BATCH, n2)),
        (r1, r2.reshape(_BATCH, n2)),
    )

# --- scband reference (transcript-rebuilt; emitter-appended) ---
"""Pipeline reference for scband-receptive-field-77068893160436 (READ-ONLY COPY).

The authoritative reference and input builder live on the scoring server;
editing this copy changes nothing except your own understanding.
"""

import jax, jax.numpy as jnp
import numpy as np

NUM_ENTITY = 100000
NUM_NEIGHBOR = 16
NUM_RELATION = 40
BATCH = 4096
NUM_HOPS = 2


def setup_inputs(seed: int = 0) -> dict:
    key = jax.random.key(seed)
    k1, k2, k3 = jax.random.split(key, 3)
    inputs = jax.random.randint(k1, (BATCH, 1, 1), 0, NUM_ENTITY, dtype=jnp.int32)
    adj_entity = jax.random.randint(k2, (NUM_ENTITY, NUM_NEIGHBOR), 0, NUM_ENTITY, dtype=jnp.int32)
    adj_relation = jax.random.randint(k3, (NUM_ENTITY, NUM_NEIGHBOR), 0, NUM_RELATION, dtype=jnp.int32)
    return {"inputs": inputs, "adj_entity": adj_entity, "adj_relation": adj_relation}


def reference(inputs, adj_entity, adj_relation):
    # Faithful translation of ReceptiveField.call:
    # iteratively gather fixed-size neighborhoods (entities and relations)
    entities = [inputs]
    relations = []
    for i in range(NUM_HOPS):
        neighbor_entities = jnp.take(adj_entity, entities[-1], axis=0)
        neighbor_relations = jnp.take(adj_relation, entities[-1], axis=0)
        entities.append(jnp.reshape(neighbor_entities, (-1, NUM_NEIGHBOR ** (i + 1))))
        relations.append(jnp.reshape(neighbor_relations, (-1, NUM_NEIGHBOR ** (i + 1))))
    return (tuple(entities), tuple(relations))

if __name__ == "__main__":
    import jax
    _d = setup_inputs()
    print(jax.jit(kernel)(*tuple(_d.values())))

</pallas_src>

<mosaic_0001>
#map = affine_map<(d0, d1) -> (0, 0)>
module attributes {stable_mosaic.version = 14 : i64} {
  func.func @_dt_body(%arg0: i32, %arg1: i32, %arg2: memref<16x100000xi32, #tpu.memory_space<hbm>>, %arg3: memref<16x100000xi32, #tpu.memory_space<hbm>>, %arg4: memref<12500x128xi32, #tpu.memory_space<hbm>>, %arg5: memref<12500x128xi32, #tpu.memory_space<hbm>>, %arg6: memref<16x512xi32, #tpu.memory_space<vmem>>, %arg7: memref<64x128xi32, #tpu.memory_space<vmem>>, %arg8: memref<16x128xi32, #tpu.memory_space<vmem>>, %arg9: memref<16x128xi32, #tpu.memory_space<vmem>>, %arg10: memref<16x32xi32, #tpu.memory_space<vmem>>, %arg11: memref<4x128xi32, #tpu.memory_space<vmem>>, %arg12: memref<!tpu.dma_semaphore, #tpu.memory_space<semaphore_mem>>) attributes {dimension_semantics = [#tpu.dimension_semantics<core_parallel>, #tpu.dimension_semantics<subcore_parallel>], iteration_bounds = array<i64: 2, 16>, scalar_prefetch = 0 : i64, scratch_operands = 7 : i64, tpu.core_type = #tpu.core_type<sc_vector_subcore>, window_params = [{transform_indices = #map}, {transform_indices = #map}, {transform_indices = #map}, {transform_indices = #map}]} {
    %eq3A = arith.constant 0 : i32
    %eq3A_0 = arith.cmpi eq, %arg0, %eq3A : i32
    %convert_element_type3A = arith.extui %eq3A_0 : i1 to i32
    %cond3A = arith.constant 0 : i32
    %cond3A_1 = arith.cmpi ne, %convert_element_type3A, %cond3A : i32
    scf.if %cond3A_1 {
      %scan3A = arith.constant 0 : i32
      %scan3A_22 = arith.constant 0 : i32
      %scan3A_23 = arith.constant 13 : i32
      %scan3A_24 = arith.addi %scan3A_22, %scan3A_23 : i32
      %scan3A_25 = arith.constant 1 : i32
      %scan3A_26 = scf.for %scan3A_33 = %scan3A_22 to %scan3A_24 step %scan3A_25 iter_args(%scan3A_34 = %scan3A) -> (i32)  : i32 {
        %mul3A = arith.constant 16 : i32
        %mul3A_35 = arith.muli %scan3A_33, %mul3A : i32
        %add3A = arith.addi %mul3A_35, %arg1 : i32
        %lt3A = arith.constant 195 : i32
        %lt3A_36 = arith.cmpi slt, %add3A, %lt3A : i32
        %convert_element_type3A_37 = arith.extui %lt3A_36 : i1 to i32
        %cond3A_38 = arith.constant 0 : i32
        %cond3A_39 = arith.cmpi ne, %convert_element_type3A_37, %cond3A_38 : i32
        scf.if %cond3A_39 {
          %mul3A_41 = arith.constant 512 : i32
          %mul3A_42 = arith.muli %add3A, %mul3A_41 : i32
          "tpu.region"() ({
            %run_scoped3A = tpu.sem_alloc : memref<!tpu.dma_semaphore, #tpu.memory_space<semaphore_mem>>
            %dma_start3A = arith.constant 0 : i32
            %dma_start3A_47 = tpu.memref_slice %arg2[%dma_start3A, %mul3A_42] : memref<16x100000xi32, #tpu.memory_space<hbm>> -> memref<16x512xi32, #tpu.memory_space<hbm>>
            %dma_start3A_48 = arith.constant 0 : i32
            %dma_start3A_49 = tpu.memref_slice %arg2[%dma_start3A_48, %mul3A_42] : memref<16x100000xi32, #tpu.memory_space<hbm>> -> memref<16x512xi32, #tpu.memory_space<hbm>>
            tpu.enqueue_dma source(%dma_start3A_49 : memref<16x512xi32, #tpu.memory_space<hbm>>) target(%arg6 : memref<16x512xi32, #tpu.memory_space<vmem>>) target_semaphore(%run_scoped3A : memref<!tpu.dma_semaphore, #tpu.memory_space<semaphore_mem>>)
            %dma_wait3A = arith.constant 0 : i32
            %dma_wait3A_50 = tpu.memref_slice %arg2[%dma_wait3A, %mul3A_42] : memref<16x100000xi32, #tpu.memory_space<hbm>> -> memref<16x512xi32, #tpu.memory_space<hbm>>
            %dma_wait3A_51 = arith.constant 0 : i32
            %dma_wait3A_52 = tpu.memref_slice %arg2[%dma_wait3A_51, %mul3A_42] : memref<16x100000xi32, #tpu.memory_space<hbm>> -> memref<16x512xi32, #tpu.memory_space<hbm>>
            tpu.wait_dma2 semaphore(%run_scoped3A : memref<!tpu.dma_semaphore, #tpu.memory_space<semaphore_mem>>) src(%dma_wait3A_52 : memref<16x512xi32, #tpu.memory_space<hbm>>) dst(%arg6 : memref<16x512xi32, #tpu.memory_space<vmem>>)
            tpu.yield
          }) : () -> ()
          %parallel_loop3A = arith.constant 0 : i32
          %parallel_loop3A_43 = arith.constant 512 : i32
          %parallel_loop3A_44 = arith.constant 1 : i32
          scf.for %parallel_loop3A_47 = %parallel_loop3A to %parallel_loop3A_43 step %parallel_loop3A_44  : i32 {
            %parallel_loop3A_48 = tpu.iota {dimensions = array<i32: 0>} : vector<16xi32>
            %parallel_loop3A_49 = vector.broadcast %parallel_loop3A_47 : i32 to vector<16xi32>
            %parallel_loop3A_50 = tpu.vector_load_idx %arg6[%parallel_loop3A_48, %parallel_loop3A_49] : memref<16x512xi32, #tpu.memory_space<vmem>>[vector<16xi32>, vector<16xi32>], vector<16xi32>,
            %parallel_loop3A_51 = arith.constant 8 : i32
            %parallel_loop3A_52 = arith.divsi %parallel_loop3A_47, %parallel_loop3A_51 : i32
            %parallel_loop3A_53 = arith.constant 0 : i32
            %parallel_loop3A_54 = arith.cmpi sgt, %parallel_loop3A_47, %parallel_loop3A_53 : i32
            %parallel_loop3A_55 = arith.extui %parallel_loop3A_54 : i1 to i32
            %parallel_loop3A_56 = arith.constant 0 : i32
            %parallel_loop3A_57 = arith.cmpi slt, %parallel_loop3A_47, %parallel_loop3A_56 : i32
            %parallel_loop3A_58 = arith.extui %parallel_loop3A_57 : i1 to i32
            %parallel_loop3A_59 = arith.subi %parallel_loop3A_55, %parallel_loop3A_58 : i32
            %parallel_loop3A_60 = arith.constant 0 : i32
            %parallel_loop3A_61 = arith.cmpi sgt, %parallel_loop3A_51, %parallel_loop3A_60 : i32
            %parallel_loop3A_62 = arith.extui %parallel_loop3A_61 : i1 to i32
            %parallel_loop3A_63 = arith.constant 0 : i32
            %parallel_loop3A_64 = arith.cmpi slt, %parallel_loop3A_51, %parallel_loop3A_63 : i32
            %parallel_loop3A_65 = arith.extui %parallel_loop3A_64 : i1 to i32
            %parallel_loop3A_66 = arith.subi %parallel_loop3A_62, %parallel_loop3A_65 : i32
            %parallel_loop3A_67 = arith.cmpi ne, %parallel_loop3A_59, %parallel_loop3A_66 : i32
            %parallel_loop3A_68 = arith.remsi %parallel_loop3A_47, %parallel_loop3A_51 : i32
            %parallel_loop3A_69 = arith.constant 0 : i32
            %parallel_loop3A_70 = arith.cmpi ne, %parallel_loop3A_68, %parallel_loop3A_69 : i32
            %parallel_loop3A_71 = arith.andi %parallel_loop3A_67, %parallel_loop3A_70 : i1
            %parallel_loop3A_72 = arith.constant 1 : i32
            %parallel_loop3A_73 = arith.subi %parallel_loop3A_52, %parallel_loop3A_72 : i32
            %parallel_loop3A_74 = arith.select %parallel_loop3A_71, %parallel_loop3A_73, %parallel_loop3A_52 : i32
            %parallel_loop3A_75 = arith.constant 8 : i32
            %parallel_loop3A_76 = arith.constant 0 : i32
            %parallel_loop3A_77 = arith.cmpi eq, %parallel_loop3A_75, %parallel_loop3A_76 : i32
            %parallel_loop3A_78 = arith.constant 1 : i32
            %parallel_loop3A_79 = arith.select %parallel_loop3A_77, %parallel_loop3A_78, %parallel_loop3A_75 : i32
            %parallel_loop3A_80 = arith.remsi %parallel_loop3A_47, %parallel_loop3A_79 : i32
            %parallel_loop3A_81 = arith.constant 0 : i32
            %parallel_loop3A_82 = arith.cmpi ne, %parallel_loop3A_80, %parallel_loop3A_81 : i32
            %parallel_loop3A_83 = arith.constant 0 : i32
            %parallel_loop3A_84 = arith.cmpi slt, %parallel_loop3A_80, %parallel_loop3A_83 : i32
            %parallel_loop3A_85 = arith.constant 0 : i32
            %parallel_loop3A_86 = arith.cmpi slt, %parallel_loop3A_79, %parallel_loop3A_85 : i32
            %parallel_loop3A_87 = arith.xori %parallel_loop3A_84, %parallel_loop3A_86 : i1
            %parallel_loop3A_88 = arith.andi %parallel_loop3A_87, %parallel_loop3A_82 : i1
            %parallel_loop3A_89 = arith.addi %parallel_loop3A_80, %parallel_loop3A_79 : i32
            %parallel_loop3A_90 = arith.select %parallel_loop3A_88, %parallel_loop3A_89, %parallel_loop3A_80 : i32
            %parallel_loop3A_91 = arith.constant 16 : i32
            %parallel_loop3A_92 = arith.muli %parallel_loop3A_90, %parallel_loop3A_91 : i32
            %parallel_loop3A_93 = arith.index_cast %parallel_loop3A_74 : i32 to index
            %parallel_loop3A_94 = arith.index_cast %parallel_loop3A_92 : i32 to index
            %parallel_loop3A_95 = tpu.vector_load %arg7[%parallel_loop3A_93, %parallel_loop3A_94] {strides = array<i32>} : memref<64x128xi32, #tpu.memory_space<vmem>>, vector<16xi32>,
            tpu.vector_store %arg7[%parallel_loop3A_93, %parallel_loop3A_94], %parallel_loop3A_50 {strides = array<i32>} : memref<64x128xi32, #tpu.memory_space<vmem>>, vector<16xi32>,
          } {sc.loop_unroll_factor = 8 : i64, sc.parallel_access}
          %mul3A_45 = arith.constant 64 : i32
          %mul3A_46 = arith.muli %add3A, %mul3A_45 : i32
          "tpu.region"() ({
            %run_scoped3A = tpu.sem_alloc : memref<!tpu.dma_semaphore, #tpu.memory_space<semaphore_mem>>
            %dma_start3A = arith.constant 0 : i32
            %dma_start3A_47 = tpu.memref_slice %arg4[%mul3A_46, %dma_start3A] : memref<12500x128xi32, #tpu.memory_space<hbm>> -> memref<64x128xi32, #tpu.memory_space<hbm>>
            %dma_start3A_48 = arith.constant 0 : i32
            %dma_start3A_49 = tpu.memref_slice %arg4[%mul3A_46, %dma_start3A_48] : memref<12500x128xi32, #tpu.memory_space<hbm>> -> memref<64x128xi32, #tpu.memory_space<hbm>>
            tpu.enqueue_dma source(%arg7 : memref<64x128xi32, #tpu.memory_space<vmem>>) target(%dma_start3A_49 : memref<64x128xi32, #tpu.memory_space<hbm>>) target_semaphore(%run_scoped3A : memref<!tpu.dma_semaphore, #tpu.memory_space<semaphore_mem>>)
            %dma_wait3A = arith.constant 0 : i32
            %dma_wait3A_50 = tpu.memref_slice %arg4[%mul3A_46, %dma_wait3A] : memref<12500x128xi32, #tpu.memory_space<hbm>> -> memref<64x128xi32, #tpu.memory_space<hbm>>
            %dma_wait3A_51 = arith.constant 0 : i32
            %dma_wait3A_52 = tpu.memref_slice %arg4[%mul3A_46, %dma_wait3A_51] : memref<12500x128xi32, #tpu.memory_space<hbm>> -> memref<64x128xi32, #tpu.memory_space<hbm>>
            tpu.wait_dma2 semaphore(%run_scoped3A : memref<!tpu.dma_semaphore, #tpu.memory_space<semaphore_mem>>) src(%arg7 : memref<64x128xi32, #tpu.memory_space<vmem>>) dst(%dma_wait3A_52 : memref<64x128xi32, #tpu.memory_space<hbm>>)
            tpu.yield
          }) : () -> ()
        } else {
        }
        %scan3A_40 = arith.constant 0 : i32
        scf.yield %scan3A_40 : i32
      }
      %scan3A_27 = arith.constant 13 : i32
      %eq3A_28 = arith.constant 15 : i32
      %eq3A_29 = arith.cmpi eq, %arg1, %eq3A_28 : i32
      %convert_element_type3A_30 = arith.extui %eq3A_29 : i1 to i32
      %cond3A_31 = arith.constant 0 : i32
      %cond3A_32 = arith.cmpi ne, %convert_element_type3A_30, %cond3A_31 : i32
      scf.if %cond3A_32 {
        "tpu.region"() ({
          %run_scoped3A = tpu.sem_alloc : memref<!tpu.dma_semaphore, #tpu.memory_space<semaphore_mem>>
          %dma_start3A = arith.constant 0 : i32
          %dma_start3A_35 = arith.constant 99840 : i32
          %dma_start3A_36 = tpu.memref_slice %arg2[%dma_start3A, %dma_start3A_35] : memref<16x100000xi32, #tpu.memory_space<hbm>> -> memref<16x128xi32, #tpu.memory_space<hbm>>
          %dma_start3A_37 = arith.constant 0 : i32
          %dma_start3A_38 = arith.constant 99840 : i32
          %dma_start3A_39 = tpu.memref_slice %arg2[%dma_start3A_37, %dma_start3A_38] : memref<16x100000xi32, #tpu.memory_space<hbm>> -> memref<16x128xi32, #tpu.memory_space<hbm>>
          tpu.enqueue_dma source(%dma_start3A_39 : memref<16x128xi32, #tpu.memory_space<hbm>>) target(%arg8 : memref<16x128xi32, #tpu.memory_space<vmem>>) target_semaphore(%run_scoped3A : memref<!tpu.dma_semaphore, #tpu.memory_space<semaphore_mem>>)
          %dma_wait3A = arith.constant 0 : i32
          %dma_wait3A_40 = arith.constant 99840 : i32
          %dma_wait3A_41 = tpu.memref_slice %arg2[%dma_wait3A, %dma_wait3A_40] : memref<16x100000xi32, #tpu.memory_space<hbm>> -> memref<16x128xi32, #tpu.memory_space<hbm>>
          %dma_wait3A_42 = arith.constant 0 : i32
          %dma_wait3A_43 = arith.constant 99840 : i32
          %dma_wait3A_44 = tpu.memref_slice %arg2[%dma_wait3A_42, %dma_wait3A_43] : memref<16x100000xi32, #tpu.memory_space<hbm>> -> memref<16x128xi32, #tpu.memory_space<hbm>>
          tpu.wait_dma2 semaphore(%run_scoped3A : memref<!tpu.dma_semaphore, #tpu.memory_space<semaphore_mem>>) src(%dma_wait3A_44 : memref<16x128xi32, #tpu.memory_space<hbm>>) dst(%arg8 : memref<16x128xi32, #tpu.memory_space<vmem>>)
          tpu.yield
        }) : () -> ()
        %parallel_loop3A = arith.constant 0 : i32
        %parallel_loop3A_33 = arith.constant 128 : i32
        %parallel_loop3A_34 = arith.constant 1 : i32
        scf.for %parallel_loop3A_35 = %parallel_loop3A to %parallel_loop3A_33 step %parallel_loop3A_34  : i32 {
          %parallel_loop3A_36 = tpu.iota {dimensions = array<i32: 0>} : vector<16xi32>
          %parallel_loop3A_37 = vector.broadcast %parallel_loop3A_35 : i32 to vector<16xi32>
          %parallel_loop3A_38 = tpu.vector_load_idx %arg8[%parallel_loop3A_36, %parallel_loop3A_37] : memref<16x128xi32, #tpu.memory_space<vmem>>[vector<16xi32>, vector<16xi32>], vector<16xi32>,
          %parallel_loop3A_39 = arith.constant 8 : i32
          %parallel_loop3A_40 = arith.divsi %parallel_loop3A_35, %parallel_loop3A_39 : i32
          %parallel_loop3A_41 = arith.constant 0 : i32
          %parallel_loop3A_42 = arith.cmpi sgt, %parallel_loop3A_35, %parallel_loop3A_41 : i32
          %parallel_loop3A_43 = arith.extui %parallel_loop3A_42 : i1 to i32
          %parallel_loop3A_44 = arith.constant 0 : i32
          %parallel_loop3A_45 = arith.cmpi slt, %parallel_loop3A_35, %parallel_loop3A_44 : i32
          %parallel_loop3A_46 = arith.extui %parallel_loop3A_45 : i1 to i32
          %parallel_loop3A_47 = arith.subi %parallel_loop3A_43, %parallel_loop3A_46 : i32
          %parallel_loop3A_48 = arith.constant 0 : i32
          %parallel_loop3A_49 = arith.cmpi sgt, %parallel_loop3A_39, %parallel_loop3A_48 : i32
          %parallel_loop3A_50 = arith.extui %parallel_loop3A_49 : i1 to i32
          %parallel_loop3A_51 = arith.constant 0 : i32
          %parallel_loop3A_52 = arith.cmpi slt, %parallel_loop3A_39, %parallel_loop3A_51 : i32
          %parallel_loop3A_53 = arith.extui %parallel_loop3A_52 : i1 to i32
          %parallel_loop3A_54 = arith.subi %parallel_loop3A_50, %parallel_loop3A_53 : i32
          %parallel_loop3A_55 = arith.cmpi ne, %parallel_loop3A_47, %parallel_loop3A_54 : i32
          %parallel_loop3A_56 = arith.remsi %parallel_loop3A_35, %parallel_loop3A_39 : i32
          %parallel_loop3A_57 = arith.constant 0 : i32
          %parallel_loop3A_58 = arith.cmpi ne, %parallel_loop3A_56, %parallel_loop3A_57 : i32
          %parallel_loop3A_59 = arith.andi %parallel_loop3A_55, %parallel_loop3A_58 : i1
          %parallel_loop3A_60 = arith.constant 1 : i32
          %parallel_loop3A_61 = arith.subi %parallel_loop3A_40, %parallel_loop3A_60 : i32
          %parallel_loop3A_62 = arith.select %parallel_loop3A_59, %parallel_loop3A_61, %parallel_loop3A_40 : i32
          %parallel_loop3A_63 = arith.constant 8 : i32
          %parallel_loop3A_64 = arith.constant 0 : i32
          %parallel_loop3A_65 = arith.cmpi eq, %parallel_loop3A_63, %parallel_loop3A_64 : i32
          %parallel_loop3A_66 = arith.constant 1 : i32
          %parallel_loop3A_67 = arith.select %parallel_loop3A_65, %parallel_loop3A_66, %parallel_loop3A_63 : i32
          %parallel_loop3A_68 = arith.remsi %parallel_loop3A_35, %parallel_loop3A_67 : i32
          %parallel_loop3A_69 = arith.constant 0 : i32
          %parallel_loop3A_70 = arith.cmpi ne, %parallel_loop3A_68, %parallel_loop3A_69 : i32
          %parallel_loop3A_71 = arith.constant 0 : i32
          %parallel_loop3A_72 = arith.cmpi slt, %parallel_loop3A_68, %parallel_loop3A_71 : i32
          %parallel_loop3A_73 = arith.constant 0 : i32
          %parallel_loop3A_74 = arith.cmpi slt, %parallel_loop3A_67, %parallel_loop3A_73 : i32
          %parallel_loop3A_75 = arith.xori %parallel_loop3A_72, %parallel_loop3A_74 : i1
          %parallel_loop3A_76 = arith.andi %parallel_loop3A_75, %parallel_loop3A_70 : i1
          %parallel_loop3A_77 = arith.addi %parallel_loop3A_68, %parallel_loop3A_67 : i32
          %parallel_loop3A_78 = arith.select %parallel_loop3A_76, %parallel_loop3A_77, %parallel_loop3A_68 : i32
          %parallel_loop3A_79 = arith.constant 16 : i32
          %parallel_loop3A_80 = arith.muli %parallel_loop3A_78, %parallel_loop3A_79 : i32
          %parallel_loop3A_81 = arith.index_cast %parallel_loop3A_62 : i32 to index
          %parallel_loop3A_82 = arith.index_cast %parallel_loop3A_80 : i32 to index
          %parallel_loop3A_83 = tpu.vector_load %arg9[%parallel_loop3A_81, %parallel_loop3A_82] {strides = array<i32>} : memref<16x128xi32, #tpu.memory_space<vmem>>, vector<16xi32>,
          tpu.vector_store %arg9[%parallel_loop3A_81, %parallel_loop3A_82], %parallel_loop3A_38 {strides = array<i32>} : memref<16x128xi32, #tpu.memory_space<vmem>>, vector<16xi32>,
        } {sc.loop_unroll_factor = 8 : i64, sc.parallel_access}
        "tpu.region"() ({
          %run_scoped3A = tpu.sem_alloc : memref<!tpu.dma_semaphore, #tpu.memory_space<semaphore_mem>>
          %dma_start3A = arith.constant 12480 : i32
          %dma_start3A_35 = arith.constant 0 : i32
          %dma_start3A_36 = tpu.memref_slice %arg4[%dma_start3A, %dma_start3A_35] : memref<12500x128xi32, #tpu.memory_space<hbm>> -> memref<16x128xi32, #tpu.memory_space<hbm>>
          %dma_start3A_37 = arith.constant 12480 : i32
          %dma_start3A_38 = arith.constant 0 : i32
          %dma_start3A_39 = tpu.memref_slice %arg4[%dma_start3A_37, %dma_start3A_38] : memref<12500x128xi32, #tpu.memory_space<hbm>> -> memref<16x128xi32, #tpu.memory_space<hbm>>
          tpu.enqueue_dma source(%arg9 : memref<16x128xi32, #tpu.memory_space<vmem>>) target(%dma_start3A_39 : memref<16x128xi32, #tpu.memory_space<hbm>>) target_semaphore(%run_scoped3A : memref<!tpu.dma_semaphore, #tpu.memory_space<semaphore_mem>>)
          %dma_wait3A = arith.constant 12480 : i32
          %dma_wait3A_40 = arith.constant 0 : i32
          %dma_wait3A_41 = tpu.memref_slice %arg4[%dma_wait3A, %dma_wait3A_40] : memref<12500x128xi32, #tpu.memory_space<hbm>> -> memref<16x128xi32, #tpu.memory_space<hbm>>
          %dma_wait3A_42 = arith.constant 12480 : i32
          %dma_wait3A_43 = arith.constant 0 : i32
          %dma_wait3A_44 = tpu.memref_slice %arg4[%dma_wait3A_42, %dma_wait3A_43] : memref<12500x128xi32, #tpu.memory_space<hbm>> -> memref<16x128xi32, #tpu.memory_space<hbm>>
          tpu.wait_dma2 semaphore(%run_scoped3A : memref<!tpu.dma_semaphore, #tpu.memory_space<semaphore_mem>>) src(%arg9 : memref<16x128xi32, #tpu.memory_space<vmem>>) dst(%dma_wait3A_44 : memref<16x128xi32, #tpu.memory_space<hbm>>)
          tpu.yield
        }) : () -> ()
      } else {
      }
    } else {
    }
    %eq3A_2 = arith.constant 1 : i32
    %eq3A_3 = arith.cmpi eq, %arg0, %eq3A_2 : i32
    %convert_element_type3A_4 = arith.extui %eq3A_3 : i1 to i32
    %cond3A_5 = arith.constant 0 : i32
    %cond3A_6 = arith.cmpi ne, %convert_element_type3A_4, %cond3A_5 : i32
    scf.if %cond3A_6 {
      %scan3A = arith.constant 0 : i32
      %scan3A_22 = arith.constant 0 : i32
      %scan3A_23 = arith.constant 13 : i32
      %scan3A_24 = arith.addi %scan3A_22, %scan3A_23 : i32
      %scan3A_25 = arith.constant 1 : i32
      %scan3A_26 = scf.for %scan3A_33 = %scan3A_22 to %scan3A_24 step %scan3A_25 iter_args(%scan3A_34 = %scan3A) -> (i32)  : i32 {
        %mul3A = arith.constant 16 : i32
        %mul3A_35 = arith.muli %scan3A_33, %mul3A : i32
        %add3A = arith.addi %mul3A_35, %arg1 : i32
        %lt3A = arith.constant 195 : i32
        %lt3A_36 = arith.cmpi slt, %add3A, %lt3A : i32
        %convert_element_type3A_37 = arith.extui %lt3A_36 : i1 to i32
        %cond3A_38 = arith.constant 0 : i32
        %cond3A_39 = arith.cmpi ne, %convert_element_type3A_37, %cond3A_38 : i32
        scf.if %cond3A_39 {
          %mul3A_41 = arith.constant 512 : i32
          %mul3A_42 = arith.muli %add3A, %mul3A_41 : i32
          "tpu.region"() ({
            %run_scoped3A = tpu.sem_alloc : memref<!tpu.dma_semaphore, #tpu.memory_space<semaphore_mem>>
            %dma_start3A = arith.constant 0 : i32
            %dma_start3A_47 = tpu.memref_slice %arg3[%dma_start3A, %mul3A_42] : memref<16x100000xi32, #tpu.memory_space<hbm>> -> memref<16x512xi32, #tpu.memory_space<hbm>>
            %dma_start3A_48 = arith.constant 0 : i32
            %dma_start3A_49 = tpu.memref_slice %arg3[%dma_start3A_48, %mul3A_42] : memref<16x100000xi32, #tpu.memory_space<hbm>> -> memref<16x512xi32, #tpu.memory_space<hbm>>
            tpu.enqueue_dma source(%dma_start3A_49 : memref<16x512xi32, #tpu.memory_space<hbm>>) target(%arg6 : memref<16x512xi32, #tpu.memory_space<vmem>>) target_semaphore(%run_scoped3A : memref<!tpu.dma_semaphore, #tpu.memory_space<semaphore_mem>>)
            %dma_wait3A = arith.constant 0 : i32
            %dma_wait3A_50 = tpu.memref_slice %arg3[%dma_wait3A, %mul3A_42] : memref<16x100000xi32, #tpu.memory_space<hbm>> -> memref<16x512xi32, #tpu.memory_space<hbm>>
            %dma_wait3A_51 = arith.constant 0 : i32
            %dma_wait3A_52 = tpu.memref_slice %arg3[%dma_wait3A_51, %mul3A_42] : memref<16x100000xi32, #tpu.memory_space<hbm>> -> memref<16x512xi32, #tpu.memory_space<hbm>>
            tpu.wait_dma2 semaphore(%run_scoped3A : memref<!tpu.dma_semaphore, #tpu.memory_space<semaphore_mem>>) src(%dma_wait3A_52 : memref<16x512xi32, #tpu.memory_space<hbm>>) dst(%arg6 : memref<16x512xi32, #tpu.memory_space<vmem>>)
            tpu.yield
          }) : () -> ()
          %parallel_loop3A = arith.constant 0 : i32
          %parallel_loop3A_43 = arith.constant 512 : i32
          %parallel_loop3A_44 = arith.constant 1 : i32
          scf.for %parallel_loop3A_47 = %parallel_loop3A to %parallel_loop3A_43 step %parallel_loop3A_44  : i32 {
            %parallel_loop3A_48 = tpu.iota {dimensions = array<i32: 0>} : vector<16xi32>
            %parallel_loop3A_49 = vector.broadcast %parallel_loop3A_47 : i32 to vector<16xi32>
            %parallel_loop3A_50 = tpu.vector_load_idx %arg6[%parallel_loop3A_48, %parallel_loop3A_49] : memref<16x512xi32, #tpu.memory_space<vmem>>[vector<16xi32>, vector<16xi32>], vector<16xi32>,
            %parallel_loop3A_51 = arith.constant 8 : i32
            %parallel_loop3A_52 = arith.divsi %parallel_loop3A_47, %parallel_loop3A_51 : i32
            %parallel_loop3A_53 = arith.constant 0 : i32
            %parallel_loop3A_54 = arith.cmpi sgt, %parallel_loop3A_47, %parallel_loop3A_53 : i32
            %parallel_loop3A_55 = arith.extui %parallel_loop3A_54 : i1 to i32
            %parallel_loop3A_56 = arith.constant 0 : i32
            %parallel_loop3A_57 = arith.cmpi slt, %parallel_loop3A_47, %parallel_loop3A_56 : i32
            %parallel_loop3A_58 = arith.extui %parallel_loop3A_57 : i1 to i32
            %parallel_loop3A_59 = arith.subi %parallel_loop3A_55, %parallel_loop3A_58 : i32
            %parallel_loop3A_60 = arith.constant 0 : i32
            %parallel_loop3A_61 = arith.cmpi sgt, %parallel_loop3A_51, %parallel_loop3A_60 : i32
            %parallel_loop3A_62 = arith.extui %parallel_loop3A_61 : i1 to i32
            %parallel_loop3A_63 = arith.constant 0 : i32
            %parallel_loop3A_64 = arith.cmpi slt, %parallel_loop3A_51, %parallel_loop3A_63 : i32
            %parallel_loop3A_65 = arith.extui %parallel_loop3A_64 : i1 to i32
            %parallel_loop3A_66 = arith.subi %parallel_loop3A_62, %parallel_loop3A_65 : i32
            %parallel_loop3A_67 = arith.cmpi ne, %parallel_loop3A_59, %parallel_loop3A_66 : i32
            %parallel_loop3A_68 = arith.remsi %parallel_loop3A_47, %parallel_loop3A_51 : i32
            %parallel_loop3A_69 = arith.constant 0 : i32
            %parallel_loop3A_70 = arith.cmpi ne, %parallel_loop3A_68, %parallel_loop3A_69 : i32
            %parallel_loop3A_71 = arith.andi %parallel_loop3A_67, %parallel_loop3A_70 : i1
            %parallel_loop3A_72 = arith.constant 1 : i32
            %parallel_loop3A_73 = arith.subi %parallel_loop3A_52, %parallel_loop3A_72 : i32
            %parallel_loop3A_74 = arith.select %parallel_loop3A_71, %parallel_loop3A_73, %parallel_loop3A_52 : i32
            %parallel_loop3A_75 = arith.constant 8 : i32
            %parallel_loop3A_76 = arith.constant 0 : i32
            %parallel_loop3A_77 = arith.cmpi eq, %parallel_loop3A_75, %parallel_loop3A_76 : i32
            %parallel_loop3A_78 = arith.constant 1 : i32
            %parallel_loop3A_79 = arith.select %parallel_loop3A_77, %parallel_loop3A_78, %parallel_loop3A_75 : i32
            %parallel_loop3A_80 = arith.remsi %parallel_loop3A_47, %parallel_loop3A_79 : i32
            %parallel_loop3A_81 = arith.constant 0 : i32
            %parallel_loop3A_82 = arith.cmpi ne, %parallel_loop3A_80, %parallel_loop3A_81 : i32
            %parallel_loop3A_83 = arith.constant 0 : i32
            %parallel_loop3A_84 = arith.cmpi slt, %parallel_loop3A_80, %parallel_loop3A_83 : i32
            %parallel_loop3A_85 = arith.constant 0 : i32
            %parallel_loop3A_86 = arith.cmpi slt, %parallel_loop3A_79, %parallel_loop3A_85 : i32
            %parallel_loop3A_87 = arith.xori %parallel_loop3A_84, %parallel_loop3A_86 : i1
            %parallel_loop3A_88 = arith.andi %parallel_loop3A_87, %parallel_loop3A_82 : i1
            %parallel_loop3A_89 = arith.addi %parallel_loop3A_80, %parallel_loop3A_79 : i32
            %parallel_loop3A_90 = arith.select %parallel_loop3A_88, %parallel_loop3A_89, %parallel_loop3A_80 : i32
            %parallel_loop3A_91 = arith.constant 16 : i32
            %parallel_loop3A_92 = arith.muli %parallel_loop3A_90, %parallel_loop3A_91 : i32
            %parallel_loop3A_93 = arith.index_cast %parallel_loop3A_74 : i32 to index
            %parallel_loop3A_94 = arith.index_cast %parallel_loop3A_92 : i32 to index
            %parallel_loop3A_95 = tpu.vector_load %arg7[%parallel_loop3A_93, %parallel_loop3A_94] {strides = array<i32>} : memref<64x128xi32, #tpu.memory_space<vmem>>, vector<16xi32>,
            tpu.vector_store %arg7[%parallel_loop3A_93, %parallel_loop3A_94], %parallel_loop3A_50 {strides = array<i32>} : memref<64x128xi32, #tpu.memory_space<vmem>>, vector<16xi32>,
          } {sc.loop_unroll_factor = 8 : i64, sc.parallel_access}
          %mul3A_45 = arith.constant 64 : i32
          %mul3A_46 = arith.muli %add3A, %mul3A_45 : i32
          "tpu.region"() ({
            %run_scoped3A = tpu.sem_alloc : memref<!tpu.dma_semaphore, #tpu.memory_space<semaphore_mem>>
            %dma_start3A = arith.constant 0 : i32
            %dma_start3A_47 = tpu.memref_slice %arg5[%mul3A_46, %dma_start3A] : memref<12500x128xi32, #tpu.memory_space<hbm>> -> memref<64x128xi32, #tpu.memory_space<hbm>>
            %dma_start3A_48 = arith.constant 0 : i32
            %dma_start3A_49 = tpu.memref_slice %arg5[%mul3A_46, %dma_start3A_48] : memref<12500x128xi32, #tpu.memory_space<hbm>> -> memref<64x128xi32, #tpu.memory_space<hbm>>
            tpu.enqueue_dma source(%arg7 : memref<64x128xi32, #tpu.memory_space<vmem>>) target(%dma_start3A_49 : memref<64x128xi32, #tpu.memory_space<hbm>>) target_semaphore(%run_scoped3A : memref<!tpu.dma_semaphore, #tpu.memory_space<semaphore_mem>>)
            %dma_wait3A = arith.constant 0 : i32
            %dma_wait3A_50 = tpu.memref_slice %arg5[%mul3A_46, %dma_wait3A] : memref<12500x128xi32, #tpu.memory_space<hbm>> -> memref<64x128xi32, #tpu.memory_space<hbm>>
            %dma_wait3A_51 = arith.constant 0 : i32
            %dma_wait3A_52 = tpu.memref_slice %arg5[%mul3A_46, %dma_wait3A_51] : memref<12500x128xi32, #tpu.memory_space<hbm>> -> memref<64x128xi32, #tpu.memory_space<hbm>>
            tpu.wait_dma2 semaphore(%run_scoped3A : memref<!tpu.dma_semaphore, #tpu.memory_space<semaphore_mem>>) src(%arg7 : memref<64x128xi32, #tpu.memory_space<vmem>>) dst(%dma_wait3A_52 : memref<64x128xi32, #tpu.memory_space<hbm>>)
            tpu.yield
          }) : () -> ()
        } else {
        }
        %scan3A_40 = arith.constant 0 : i32
        scf.yield %scan3A_40 : i32
      }
      %scan3A_27 = arith.constant 13 : i32
      %eq3A_28 = arith.constant 15 : i32
      %eq3A_29 = arith.cmpi eq, %arg1, %eq3A_28 : i32
      %convert_element_type3A_30 = arith.extui %eq3A_29 : i1 to i32
      %cond3A_31 = arith.constant 0 : i32
      %cond3A_32 = arith.cmpi ne, %convert_element_type3A_30, %cond3A_31 : i32
      scf.if %cond3A_32 {
        "tpu.region"() ({
          %run_scoped3A = tpu.sem_alloc : memref<!tpu.dma_semaphore, #tpu.memory_space<semaphore_mem>>
          %dma_start3A = arith.constant 0 : i32
          %dma_start3A_35 = arith.constant 99840 : i32
          %dma_start3A_36 = tpu.memref_slice %arg3[%dma_start3A, %dma_start3A_35] : memref<16x100000xi32, #tpu.memory_space<hbm>> -> memref<16x128xi32, #tpu.memory_space<hbm>>
          %dma_start3A_37 = arith.constant 0 : i32
          %dma_start3A_38 = arith.constant 99840 : i32
          %dma_start3A_39 = tpu.memref_slice %arg3[%dma_start3A_37, %dma_start3A_38] : memref<16x100000xi32, #tpu.memory_space<hbm>> -> memref<16x128xi32, #tpu.memory_space<hbm>>
          tpu.enqueue_dma source(%dma_start3A_39 : memref<16x128xi32, #tpu.memory_space<hbm>>) target(%arg8 : memref<16x128xi32, #tpu.memory_space<vmem>>) target_semaphore(%run_scoped3A : memref<!tpu.dma_semaphore, #tpu.memory_space<semaphore_mem>>)
          %dma_wait3A = arith.constant 0 : i32
          %dma_wait3A_40 = arith.constant 99840 : i32
          %dma_wait3A_41 = tpu.memref_slice %arg3[%dma_wait3A, %dma_wait3A_40] : memref<16x100000xi32, #tpu.memory_space<hbm>> -> memref<16x128xi32, #tpu.memory_space<hbm>>
          %dma_wait3A_42 = arith.constant 0 : i32
          %dma_wait3A_43 = arith.constant 99840 : i32
          %dma_wait3A_44 = tpu.memref_slice %arg3[%dma_wait3A_42, %dma_wait3A_43] : memref<16x100000xi32, #tpu.memory_space<hbm>> -> memref<16x128xi32, #tpu.memory_space<hbm>>
          tpu.wait_dma2 semaphore(%run_scoped3A : memref<!tpu.dma_semaphore, #tpu.memory_space<semaphore_mem>>) src(%dma_wait3A_44 : memref<16x128xi32, #tpu.memory_space<hbm>>) dst(%arg8 : memref<16x128xi32, #tpu.memory_space<vmem>>)
          tpu.yield
        }) : () -> ()
        %parallel_loop3A = arith.constant 0 : i32
        %parallel_loop3A_33 = arith.constant 128 : i32
        %parallel_loop3A_34 = arith.constant 1 : i32
        scf.for %parallel_loop3A_35 = %parallel_loop3A to %parallel_loop3A_33 step %parallel_loop3A_34  : i32 {
          %parallel_loop3A_36 = tpu.iota {dimensions = array<i32: 0>} : vector<16xi32>
          %parallel_loop3A_37 = vector.broadcast %parallel_loop3A_35 : i32 to vector<16xi32>
          %parallel_loop3A_38 = tpu.vector_load_idx %arg8[%parallel_loop3A_36, %parallel_loop3A_37] : memref<16x128xi32, #tpu.memory_space<vmem>>[vector<16xi32>, vector<16xi32>], vector<16xi32>,
          %parallel_loop3A_39 = arith.constant 8 : i32
          %parallel_loop3A_40 = arith.divsi %parallel_loop3A_35, %parallel_loop3A_39 : i32
          %parallel_loop3A_41 = arith.constant 0 : i32
          %parallel_loop3A_42 = arith.cmpi sgt, %parallel_loop3A_35, %parallel_loop3A_41 : i32
          %parallel_loop3A_43 = arith.extui %parallel_loop3A_42 : i1 to i32
          %parallel_loop3A_44 = arith.constant 0 : i32
          %parallel_loop3A_45 = arith.cmpi slt, %parallel_loop3A_35, %parallel_loop3A_44 : i32
          %parallel_loop3A_46 = arith.extui %parallel_loop3A_45 : i1 to i32
          %parallel_loop3A_47 = arith.subi %parallel_loop3A_43, %parallel_loop3A_46 : i32
          %parallel_loop3A_48 = arith.constant 0 : i32
          %parallel_loop3A_49 = arith.cmpi sgt, %parallel_loop3A_39, %parallel_loop3A_48 : i32
          %parallel_loop3A_50 = arith.extui %parallel_loop3A_49 : i1 to i32
          %parallel_loop3A_51 = arith.constant 0 : i32
          %parallel_loop3A_52 = arith.cmpi slt, %parallel_loop3A_39, %parallel_loop3A_51 : i32
          %parallel_loop3A_53 = arith.extui %parallel_loop3A_52 : i1 to i32
          %parallel_loop3A_54 = arith.subi %parallel_loop3A_50, %parallel_loop3A_53 : i32
          %parallel_loop3A_55 = arith.cmpi ne, %parallel_loop3A_47, %parallel_loop3A_54 : i32
          %parallel_loop3A_56 = arith.remsi %parallel_loop3A_35, %parallel_loop3A_39 : i32
          %parallel_loop3A_57 = arith.constant 0 : i32
          %parallel_loop3A_58 = arith.cmpi ne, %parallel_loop3A_56, %parallel_loop3A_57 : i32
          %parallel_loop3A_59 = arith.andi %parallel_loop3A_55, %parallel_loop3A_58 : i1
          %parallel_loop3A_60 = arith.constant 1 : i32
          %parallel_loop3A_61 = arith.subi %parallel_loop3A_40, %parallel_loop3A_60 : i32
          %parallel_loop3A_62 = arith.select %parallel_loop3A_59, %parallel_loop3A_61, %parallel_loop3A_40 : i32
          %parallel_loop3A_63 = arith.constant 8 : i32
          %parallel_loop3A_64 = arith.constant 0 : i32
          %parallel_loop3A_65 = arith.cmpi eq, %parallel_loop3A_63, %parallel_loop3A_64 : i32
          %parallel_loop3A_66 = arith.constant 1 : i32
          %parallel_loop3A_67 = arith.select %parallel_loop3A_65, %parallel_loop3A_66, %parallel_loop3A_63 : i32
          %parallel_loop3A_68 = arith.remsi %parallel_loop3A_35, %parallel_loop3A_67 : i32
          %parallel_loop3A_69 = arith.constant 0 : i32
          %parallel_loop3A_70 = arith.cmpi ne, %parallel_loop3A_68, %parallel_loop3A_69 : i32
          %parallel_loop3A_71 = arith.constant 0 : i32
          %parallel_loop3A_72 = arith.cmpi slt, %parallel_loop3A_68, %parallel_loop3A_71 : i32
          %parallel_loop3A_73 = arith.constant 0 : i32
          %parallel_loop3A_74 = arith.cmpi slt, %parallel_loop3A_67, %parallel_loop3A_73 : i32
          %parallel_loop3A_75 = arith.xori %parallel_loop3A_72, %parallel_loop3A_74 : i1
          %parallel_loop3A_76 = arith.andi %parallel_loop3A_75, %parallel_loop3A_70 : i1
          %parallel_loop3A_77 = arith.addi %parallel_loop3A_68, %parallel_loop3A_67 : i32
          %parallel_loop3A_78 = arith.select %parallel_loop3A_76, %parallel_loop3A_77, %parallel_loop3A_68 : i32
          %parallel_loop3A_79 = arith.constant 16 : i32
          %parallel_loop3A_80 = arith.muli %parallel_loop3A_78, %parallel_loop3A_79 : i32
          %parallel_loop3A_81 = arith.index_cast %parallel_loop3A_62 : i32 to index
          %parallel_loop3A_82 = arith.index_cast %parallel_loop3A_80 : i32 to index
          %parallel_loop3A_83 = tpu.vector_load %arg9[%parallel_loop3A_81, %parallel_loop3A_82] {strides = array<i32>} : memref<16x128xi32, #tpu.memory_space<vmem>>, vector<16xi32>,
          tpu.vector_store %arg9[%parallel_loop3A_81, %parallel_loop3A_82], %parallel_loop3A_38 {strides = array<i32>} : memref<16x128xi32, #tpu.memory_space<vmem>>, vector<16xi32>,
        } {sc.loop_unroll_factor = 8 : i64, sc.parallel_access}
        "tpu.region"() ({
          %run_scoped3A = tpu.sem_alloc : memref<!tpu.dma_semaphore, #tpu.memory_space<semaphore_mem>>
          %dma_start3A = arith.constant 12480 : i32
          %dma_start3A_35 = arith.constant 0 : i32
          %dma_start3A_36 = tpu.memref_slice %arg5[%dma_start3A, %dma_start3A_35] : memref<12500x128xi32, #tpu.memory_space<hbm>> -> memref<16x128xi32, #tpu.memory_space<hbm>>
          %dma_start3A_37 = arith.constant 12480 : i32
          %dma_start3A_38 = arith.constant 0 : i32
          %dma_start3A_39 = tpu.memref_slice %arg5[%dma_start3A_37, %dma_start3A_38] : memref<12500x128xi32, #tpu.memory_space<hbm>> -> memref<16x128xi32, #tpu.memory_space<hbm>>
          tpu.enqueue_dma source(%arg9 : memref<16x128xi32, #tpu.memory_space<vmem>>) target(%dma_start3A_39 : memref<16x128xi32, #tpu.memory_space<hbm>>) target_semaphore(%run_scoped3A : memref<!tpu.dma_semaphore, #tpu.memory_space<semaphore_mem>>)
          %dma_wait3A = arith.constant 12480 : i32
          %dma_wait3A_40 = arith.constant 0 : i32
          %dma_wait3A_41 = tpu.memref_slice %arg5[%dma_wait3A, %dma_wait3A_40] : memref<12500x128xi32, #tpu.memory_space<hbm>> -> memref<16x128xi32, #tpu.memory_space<hbm>>
          %dma_wait3A_42 = arith.constant 12480 : i32
          %dma_wait3A_43 = arith.constant 0 : i32
          %dma_wait3A_44 = tpu.memref_slice %arg5[%dma_wait3A_42, %dma_wait3A_43] : memref<12500x128xi32, #tpu.memory_space<hbm>> -> memref<16x128xi32, #tpu.memory_space<hbm>>
          tpu.wait_dma2 semaphore(%run_scoped3A : memref<!tpu.dma_semaphore, #tpu.memory_space<semaphore_mem>>) src(%arg9 : memref<16x128xi32, #tpu.memory_space<vmem>>) dst(%dma_wait3A_44 : memref<16x128xi32, #tpu.memory_space<hbm>>)
          tpu.yield
        }) : () -> ()
      } else {
      }
    } else {
    }
    %eq3A_7 = arith.constant 0 : i32
    %eq3A_8 = arith.cmpi eq, %arg0, %eq3A_7 : i32
    %eq3A_9 = arith.constant 14 : i32
    %eq3A_10 = arith.cmpi eq, %arg1, %eq3A_9 : i32
    %and3A = arith.andi %eq3A_8, %eq3A_10 : i1
    %convert_element_type3A_11 = arith.extui %and3A : i1 to i32
    %cond3A_12 = arith.constant 0 : i32
    %cond3A_13 = arith.cmpi ne, %convert_element_type3A_11, %cond3A_12 : i32
    scf.if %cond3A_13 {
      "tpu.region"() ({
        %run_scoped3A = tpu.sem_alloc : memref<!tpu.dma_semaphore, #tpu.memory_space<semaphore_mem>>
        %dma_start3A = arith.constant 0 : i32
        %dma_start3A_24 = arith.constant 99968 : i32
        %dma_start3A_25 = tpu.memref_slice %arg2[%dma_start3A, %dma_start3A_24] : memref<16x100000xi32, #tpu.memory_space<hbm>> -> memref<16x32xi32, #tpu.memory_space<hbm>>
        %dma_start3A_26 = arith.constant 0 : i32
        %dma_start3A_27 = arith.constant 99968 : i32
        %dma_start3A_28 = tpu.memref_slice %arg2[%dma_start3A_26, %dma_start3A_27] : memref<16x100000xi32, #tpu.memory_space<hbm>> -> memref<16x32xi32, #tpu.memory_space<hbm>>
        tpu.enqueue_dma source(%dma_start3A_28 : memref<16x32xi32, #tpu.memory_space<hbm>>) target(%arg10 : memref<16x32xi32, #tpu.memory_space<vmem>>) target_semaphore(%run_scoped3A : memref<!tpu.dma_semaphore, #tpu.memory_space<semaphore_mem>>)
        %dma_wait3A = arith.constant 0 : i32
        %dma_wait3A_29 = arith.constant 99968 : i32
        %dma_wait3A_30 = tpu.memref_slice %arg2[%dma_wait3A, %dma_wait3A_29] : memref<16x100000xi32, #tpu.memory_space<hbm>> -> memref<16x32xi32, #tpu.memory_space<hbm>>
        %dma_wait3A_31 = arith.constant 0 : i32
        %dma_wait3A_32 = arith.constant 99968 : i32
        %dma_wait3A_33 = tpu.memref_slice %arg2[%dma_wait3A_31, %dma_wait3A_32] : memref<16x100000xi32, #tpu.memory_space<hbm>> -> memref<16x32xi32, #tpu.memory_space<hbm>>
        tpu.wait_dma2 semaphore(%run_scoped3A : memref<!tpu.dma_semaphore, #tpu.memory_space<semaphore_mem>>) src(%dma_wait3A_33 : memref<16x32xi32, #tpu.memory_space<hbm>>) dst(%arg10 : memref<16x32xi32, #tpu.memory_space<vmem>>)
        tpu.yield
      }) : () -> ()
      %parallel_loop3A = arith.constant 0 : i32
      %parallel_loop3A_22 = arith.constant 32 : i32
      %parallel_loop3A_23 = arith.constant 1 : i32
      scf.for %parallel_loop3A_24 = %parallel_loop3A to %parallel_loop3A_22 step %parallel_loop3A_23  : i32 {
        %parallel_loop3A_25 = tpu.iota {dimensions = array<i32: 0>} : vector<16xi32>
        %parallel_loop3A_26 = vector.broadcast %parallel_loop3A_24 : i32 to vector<16xi32>
        %parallel_loop3A_27 = tpu.vector_load_idx %arg10[%parallel_loop3A_25, %parallel_loop3A_26] : memref<16x32xi32, #tpu.memory_space<vmem>>[vector<16xi32>, vector<16xi32>], vector<16xi32>,
        %parallel_loop3A_28 = arith.constant 8 : i32
        %parallel_loop3A_29 = arith.divsi %parallel_loop3A_24, %parallel_loop3A_28 : i32
        %parallel_loop3A_30 = arith.constant 0 : i32
        %parallel_loop3A_31 = arith.cmpi sgt, %parallel_loop3A_24, %parallel_loop3A_30 : i32
        %parallel_loop3A_32 = arith.extui %parallel_loop3A_31 : i1 to i32
        %parallel_loop3A_33 = arith.constant 0 : i32
        %parallel_loop3A_34 = arith.cmpi slt, %parallel_loop3A_24, %parallel_loop3A_33 : i32
        %parallel_loop3A_35 = arith.extui %parallel_loop3A_34 : i1 to i32
        %parallel_loop3A_36 = arith.subi %parallel_loop3A_32, %parallel_loop3A_35 : i32
        %parallel_loop3A_37 = arith.constant 0 : i32
        %parallel_loop3A_38 = arith.cmpi sgt, %parallel_loop3A_28, %parallel_loop3A_37 : i32
        %parallel_loop3A_39 = arith.extui %parallel_loop3A_38 : i1 to i32
        %parallel_loop3A_40 = arith.constant 0 : i32
        %parallel_loop3A_41 = arith.cmpi slt, %parallel_loop3A_28, %parallel_loop3A_40 : i32
        %parallel_loop3A_42 = arith.extui %parallel_loop3A_41 : i1 to i32
        %parallel_loop3A_43 = arith.subi %parallel_loop3A_39, %parallel_loop3A_42 : i32
        %parallel_loop3A_44 = arith.cmpi ne, %parallel_loop3A_36, %parallel_loop3A_43 : i32
        %parallel_loop3A_45 = arith.remsi %parallel_loop3A_24, %parallel_loop3A_28 : i32
        %parallel_loop3A_46 = arith.constant 0 : i32
        %parallel_loop3A_47 = arith.cmpi ne, %parallel_loop3A_45, %parallel_loop3A_46 : i32
        %parallel_loop3A_48 = arith.andi %parallel_loop3A_44, %parallel_loop3A_47 : i1
        %parallel_loop3A_49 = arith.constant 1 : i32
        %parallel_loop3A_50 = arith.subi %parallel_loop3A_29, %parallel_loop3A_49 : i32
        %parallel_loop3A_51 = arith.select %parallel_loop3A_48, %parallel_loop3A_50, %parallel_loop3A_29 : i32
        %parallel_loop3A_52 = arith.constant 8 : i32
        %parallel_loop3A_53 = arith.constant 0 : i32
        %parallel_loop3A_54 = arith.cmpi eq, %parallel_loop3A_52, %parallel_loop3A_53 : i32
        %parallel_loop3A_55 = arith.constant 1 : i32
        %parallel_loop3A_56 = arith.select %parallel_loop3A_54, %parallel_loop3A_55, %parallel_loop3A_52 : i32
        %parallel_loop3A_57 = arith.remsi %parallel_loop3A_24, %parallel_loop3A_56 : i32
        %parallel_loop3A_58 = arith.constant 0 : i32
        %parallel_loop3A_59 = arith.cmpi ne, %parallel_loop3A_57, %parallel_loop3A_58 : i32
        %parallel_loop3A_60 = arith.constant 0 : i32
        %parallel_loop3A_61 = arith.cmpi slt, %parallel_loop3A_57, %parallel_loop3A_60 : i32
        %parallel_loop3A_62 = arith.constant 0 : i32
        %parallel_loop3A_63 = arith.cmpi slt, %parallel_loop3A_56, %parallel_loop3A_62 : i32
        %parallel_loop3A_64 = arith.xori %parallel_loop3A_61, %parallel_loop3A_63 : i1
        %parallel_loop3A_65 = arith.andi %parallel_loop3A_64, %parallel_loop3A_59 : i1
        %parallel_loop3A_66 = arith.addi %parallel_loop3A_57, %parallel_loop3A_56 : i32
        %parallel_loop3A_67 = arith.select %parallel_loop3A_65, %parallel_loop3A_66, %parallel_loop3A_57 : i32
        %parallel_loop3A_68 = arith.constant 16 : i32
        %parallel_loop3A_69 = arith.muli %parallel_loop3A_67, %parallel_loop3A_68 : i32
        %parallel_loop3A_70 = arith.index_cast %parallel_loop3A_51 : i32 to index
        %parallel_loop3A_71 = arith.index_cast %parallel_loop3A_69 : i32 to index
        %parallel_loop3A_72 = tpu.vector_load %arg11[%parallel_loop3A_70, %parallel_loop3A_71] {strides = array<i32>} : memref<4x128xi32, #tpu.memory_space<vmem>>, vector<16xi32>,
        tpu.vector_store %arg11[%parallel_loop3A_70, %parallel_loop3A_71], %parallel_loop3A_27 {strides = array<i32>} : memref<4x128xi32, #tpu.memory_space<vmem>>, vector<16xi32>,
      } {sc.loop_unroll_factor = 8 : i64, sc.parallel_access}
      "tpu.region"() ({
        %run_scoped3A = tpu.sem_alloc : memref<!tpu.dma_semaphore, #tpu.memory_space<semaphore_mem>>
        %dma_start3A = arith.constant 12496 : i32
        %dma_start3A_24 = arith.constant 0 : i32
        %dma_start3A_25 = tpu.memref_slice %arg4[%dma_start3A, %dma_start3A_24] : memref<12500x128xi32, #tpu.memory_space<hbm>> -> memref<4x128xi32, #tpu.memory_space<hbm>>
        %dma_start3A_26 = arith.constant 12496 : i32
        %dma_start3A_27 = arith.constant 0 : i32
        %dma_start3A_28 = tpu.memref_slice %arg4[%dma_start3A_26, %dma_start3A_27] : memref<12500x128xi32, #tpu.memory_space<hbm>> -> memref<4x128xi32, #tpu.memory_space<hbm>>
        tpu.enqueue_dma source(%arg11 : memref<4x128xi32, #tpu.memory_space<vmem>>) target(%dma_start3A_28 : memref<4x128xi32, #tpu.memory_space<hbm>>) target_semaphore(%run_scoped3A : memref<!tpu.dma_semaphore, #tpu.memory_space<semaphore_mem>>)
        %dma_wait3A = arith.constant 12496 : i32
        %dma_wait3A_29 = arith.constant 0 : i32
        %dma_wait3A_30 = tpu.memref_slice %arg4[%dma_wait3A, %dma_wait3A_29] : memref<12500x128xi32, #tpu.memory_space<hbm>> -> memref<4x128xi32, #tpu.memory_space<hbm>>
        %dma_wait3A_31 = arith.constant 12496 : i32
        %dma_wait3A_32 = arith.constant 0 : i32
        %dma_wait3A_33 = tpu.memref_slice %arg4[%dma_wait3A_31, %dma_wait3A_32] : memref<12500x128xi32, #tpu.memory_space<hbm>> -> memref<4x128xi32, #tpu.memory_space<hbm>>
        tpu.wait_dma2 semaphore(%run_scoped3A : memref<!tpu.dma_semaphore, #tpu.memory_space<semaphore_mem>>) src(%arg11 : memref<4x128xi32, #tpu.memory_space<vmem>>) dst(%dma_wait3A_33 : memref<4x128xi32, #tpu.memory_space<hbm>>)
        tpu.yield
      }) : () -> ()
    } else {
    }
    %eq3A_14 = arith.constant 1 : i32
    %eq3A_15 = arith.cmpi eq, %arg0, %eq3A_14 : i32
    %eq3A_16 = arith.constant 14 : i32
    %eq3A_17 = arith.cmpi eq, %arg1, %eq3A_16 : i32
    %and3A_18 = arith.andi %eq3A_15, %eq3A_17 : i1
    %convert_element_type3A_19 = arith.extui %and3A_18 : i1 to i32
    %cond3A_20 = arith.constant 0 : i32
    %cond3A_21 = arith.cmpi ne, %convert_element_type3A_19, %cond3A_20 : i32
    scf.if %cond3A_21 {
      "tpu.region"() ({
        %run_scoped3A = tpu.sem_alloc : memref<!tpu.dma_semaphore, #tpu.memory_space<semaphore_mem>>
        %dma_start3A = arith.constant 0 : i32
        %dma_start3A_24 = arith.constant 99968 : i32
        %dma_start3A_25 = tpu.memref_slice %arg3[%dma_start3A, %dma_start3A_24] : memref<16x100000xi32, #tpu.memory_space<hbm>> -> memref<16x32xi32, #tpu.memory_space<hbm>>
        %dma_start3A_26 = arith.constant 0 : i32
        %dma_start3A_27 = arith.constant 99968 : i32
        %dma_start3A_28 = tpu.memref_slice %arg3[%dma_start3A_26, %dma_start3A_27] : memref<16x100000xi32, #tpu.memory_space<hbm>> -> memref<16x32xi32, #tpu.memory_space<hbm>>
        tpu.enqueue_dma source(%dma_start3A_28 : memref<16x32xi32, #tpu.memory_space<hbm>>) target(%arg10 : memref<16x32xi32, #tpu.memory_space<vmem>>) target_semaphore(%run_scoped3A : memref<!tpu.dma_semaphore, #tpu.memory_space<semaphore_mem>>)
        %dma_wait3A = arith.constant 0 : i32
        %dma_wait3A_29 = arith.constant 99968 : i32
        %dma_wait3A_30 = tpu.memref_slice %arg3[%dma_wait3A, %dma_wait3A_29] : memref<16x100000xi32, #tpu.memory_space<hbm>> -> memref<16x32xi32, #tpu.memory_space<hbm>>
        %dma_wait3A_31 = arith.constant 0 : i32
        %dma_wait3A_32 = arith.constant 99968 : i32
        %dma_wait3A_33 = tpu.memref_slice %arg3[%dma_wait3A_31, %dma_wait3A_32] : memref<16x100000xi32, #tpu.memory_space<hbm>> -> memref<16x32xi32, #tpu.memory_space<hbm>>
        tpu.wait_dma2 semaphore(%run_scoped3A : memref<!tpu.dma_semaphore, #tpu.memory_space<semaphore_mem>>) src(%dma_wait3A_33 : memref<16x32xi32, #tpu.memory_space<hbm>>) dst(%arg10 : memref<16x32xi32, #tpu.memory_space<vmem>>)
        tpu.yield
      }) : () -> ()
      %parallel_loop3A = arith.constant 0 : i32
      %parallel_loop3A_22 = arith.constant 32 : i32
      %parallel_loop3A_23 = arith.constant 1 : i32
      scf.for %parallel_loop3A_24 = %parallel_loop3A to %parallel_loop3A_22 step %parallel_loop3A_23  : i32 {
        %parallel_loop3A_25 = tpu.iota {dimensions = array<i32: 0>} : vector<16xi32>
        %parallel_loop3A_26 = vector.broadcast %parallel_loop3A_24 : i32 to vector<16xi32>
        %parallel_loop3A_27 = tpu.vector_load_idx %arg10[%parallel_loop3A_25, %parallel_loop3A_26] : memref<16x32xi32, #tpu.memory_space<vmem>>[vector<16xi32>, vector<16xi32>], vector<16xi32>,
        %parallel_loop3A_28 = arith.constant 8 : i32
        %parallel_loop3A_29 = arith.divsi %parallel_loop3A_24, %parallel_loop3A_28 : i32
        %parallel_loop3A_30 = arith.constant 0 : i32
        %parallel_loop3A_31 = arith.cmpi sgt, %parallel_loop3A_24, %parallel_loop3A_30 : i32
        %parallel_loop3A_32 = arith.extui %parallel_loop3A_31 : i1 to i32
        %parallel_loop3A_33 = arith.constant 0 : i32
        %parallel_loop3A_34 = arith.cmpi slt, %parallel_loop3A_24, %parallel_loop3A_33 : i32
        %parallel_loop3A_35 = arith.extui %parallel_loop3A_34 : i1 to i32
        %parallel_loop3A_36 = arith.subi %parallel_loop3A_32, %parallel_loop3A_35 : i32
        %parallel_loop3A_37 = arith.constant 0 : i32
        %parallel_loop3A_38 = arith.cmpi sgt, %parallel_loop3A_28, %parallel_loop3A_37 : i32
        %parallel_loop3A_39 = arith.extui %parallel_loop3A_38 : i1 to i32
        %parallel_loop3A_40 = arith.constant 0 : i32
        %parallel_loop3A_41 = arith.cmpi slt, %parallel_loop3A_28, %parallel_loop3A_40 : i32
        %parallel_loop3A_42 = arith.extui %parallel_loop3A_41 : i1 to i32
        %parallel_loop3A_43 = arith.subi %parallel_loop3A_39, %parallel_loop3A_42 : i32
        %parallel_loop3A_44 = arith.cmpi ne, %parallel_loop3A_36, %parallel_loop3A_43 : i32
        %parallel_loop3A_45 = arith.remsi %parallel_loop3A_24, %parallel_loop3A_28 : i32
        %parallel_loop3A_46 = arith.constant 0 : i32
        %parallel_loop3A_47 = arith.cmpi ne, %parallel_loop3A_45, %parallel_loop3A_46 : i32
        %parallel_loop3A_48 = arith.andi %parallel_loop3A_44, %parallel_loop3A_47 : i1
        %parallel_loop3A_49 = arith.constant 1 : i32
        %parallel_loop3A_50 = arith.subi %parallel_loop3A_29, %parallel_loop3A_49 : i32
        %parallel_loop3A_51 = arith.select %parallel_loop3A_48, %parallel_loop3A_50, %parallel_loop3A_29 : i32
        %parallel_loop3A_52 = arith.constant 8 : i32
        %parallel_loop3A_53 = arith.constant 0 : i32
        %parallel_loop3A_54 = arith.cmpi eq, %parallel_loop3A_52, %parallel_loop3A_53 : i32
        %parallel_loop3A_55 = arith.constant 1 : i32
        %parallel_loop3A_56 = arith.select %parallel_loop3A_54, %parallel_loop3A_55, %parallel_loop3A_52 : i32
        %parallel_loop3A_57 = arith.remsi %parallel_loop3A_24, %parallel_loop3A_56 : i32
        %parallel_loop3A_58 = arith.constant 0 : i32
        %parallel_loop3A_59 = arith.cmpi ne, %parallel_loop3A_57, %parallel_loop3A_58 : i32
        %parallel_loop3A_60 = arith.constant 0 : i32
        %parallel_loop3A_61 = arith.cmpi slt, %parallel_loop3A_57, %parallel_loop3A_60 : i32
        %parallel_loop3A_62 = arith.constant 0 : i32
        %parallel_loop3A_63 = arith.cmpi slt, %parallel_loop3A_56, %parallel_loop3A_62 : i32
        %parallel_loop3A_64 = arith.xori %parallel_loop3A_61, %parallel_loop3A_63 : i1
        %parallel_loop3A_65 = arith.andi %parallel_loop3A_64, %parallel_loop3A_59 : i1
        %parallel_loop3A_66 = arith.addi %parallel_loop3A_57, %parallel_loop3A_56 : i32
        %parallel_loop3A_67 = arith.select %parallel_loop3A_65, %parallel_loop3A_66, %parallel_loop3A_57 : i32
        %parallel_loop3A_68 = arith.constant 16 : i32
        %parallel_loop3A_69 = arith.muli %parallel_loop3A_67, %parallel_loop3A_68 : i32
        %parallel_loop3A_70 = arith.index_cast %parallel_loop3A_51 : i32 to index
        %parallel_loop3A_71 = arith.index_cast %parallel_loop3A_69 : i32 to index
        %parallel_loop3A_72 = tpu.vector_load %arg11[%parallel_loop3A_70, %parallel_loop3A_71] {strides = array<i32>} : memref<4x128xi32, #tpu.memory_space<vmem>>, vector<16xi32>,
        tpu.vector_store %arg11[%parallel_loop3A_70, %parallel_loop3A_71], %parallel_loop3A_27 {strides = array<i32>} : memref<4x128xi32, #tpu.memory_space<vmem>>, vector<16xi32>,
      } {sc.loop_unroll_factor = 8 : i64, sc.parallel_access}
      "tpu.region"() ({
        %run_scoped3A = tpu.sem_alloc : memref<!tpu.dma_semaphore, #tpu.memory_space<semaphore_mem>>
        %dma_start3A = arith.constant 12496 : i32
        %dma_start3A_24 = arith.constant 0 : i32
        %dma_start3A_25 = tpu.memref_slice %arg5[%dma_start3A, %dma_start3A_24] : memref<12500x128xi32, #tpu.memory_space<hbm>> -> memref<4x128xi32, #tpu.memory_space<hbm>>
        %dma_start3A_26 = arith.constant 12496 : i32
        %dma_start3A_27 = arith.constant 0 : i32
        %dma_start3A_28 = tpu.memref_slice %arg5[%dma_start3A_26, %dma_start3A_27] : memref<12500x128xi32, #tpu.memory_space<hbm>> -> memref<4x128xi32, #tpu.memory_space<hbm>>
        tpu.enqueue_dma source(%arg11 : memref<4x128xi32, #tpu.memory_space<vmem>>) target(%dma_start3A_28 : memref<4x128xi32, #tpu.memory_space<hbm>>) target_semaphore(%run_scoped3A : memref<!tpu.dma_semaphore, #tpu.memory_space<semaphore_mem>>)
        %dma_wait3A = arith.constant 12496 : i32
        %dma_wait3A_29 = arith.constant 0 : i32
        %dma_wait3A_30 = tpu.memref_slice %arg5[%dma_wait3A, %dma_wait3A_29] : memref<12500x128xi32, #tpu.memory_space<hbm>> -> memref<4x128xi32, #tpu.memory_space<hbm>>
        %dma_wait3A_31 = arith.constant 12496 : i32
        %dma_wait3A_32 = arith.constant 0 : i32
        %dma_wait3A_33 = tpu.memref_slice %arg5[%dma_wait3A_31, %dma_wait3A_32] : memref<12500x128xi32, #tpu.memory_space<hbm>> -> memref<4x128xi32, #tpu.memory_space<hbm>>
        tpu.wait_dma2 semaphore(%run_scoped3A : memref<!tpu.dma_semaphore, #tpu.memory_space<semaphore_mem>>) src(%arg11 : memref<4x128xi32, #tpu.memory_space<vmem>>) dst(%dma_wait3A_33 : memref<4x128xi32, #tpu.memory_space<hbm>>)
        tpu.yield
      }) : () -> ()
    } else {
    }
    return
  }
}

#map = affine_map<(d0, d1) -> (0)>
#map1 = affine_map<(d0, d1) -> (0, 0)>
module attributes {stable_mosaic.version = 14 : i64} {
  func.func @_rf_body(%arg0: i32, %arg1: i32, %arg2: memref<4096xi32, #tpu.memory_space<hbm>>, %arg3: memref<100000x16xi32, #tpu.memory_space<hbm>>, %arg4: memref<100000x16xi32, #tpu.memory_space<hbm>>, %arg5: memref<4096x16xi32, #tpu.memory_space<hbm>>, %arg6: memref<4096x16xi32, #tpu.memory_space<hbm>>, %arg7: memref<65536x16xi32, #tpu.memory_space<hbm>>, %arg8: memref<65536x16xi32, #tpu.memory_space<hbm>>, %arg9: memref<128xi32, #tpu.memory_space<vmem>>, %arg10: memref<128x16xi32, #tpu.memory_space<vmem>>, %arg11: memref<128x16xi32, #tpu.memory_space<vmem>>, %arg12: memref<2048xi32, #tpu.memory_space<vmem>>, %arg13: memref<2048x16xi32, #tpu.memory_space<vmem>>, %arg14: memref<2048x16xi32, #tpu.memory_space<vmem>>, %arg15: memref<!tpu.dma_semaphore, #tpu.memory_space<semaphore_mem>>, %arg16: memref<!tpu.dma_semaphore, #tpu.memory_space<semaphore_mem>>, %arg17: memref<!tpu.dma_semaphore, #tpu.memory_space<semaphore_mem>>, %arg18: memref<!tpu.dma_semaphore, #tpu.memory_space<semaphore_mem>>) attributes {dimension_semantics = [#tpu.dimension_semantics<core_parallel>, #tpu.dimension_semantics<subcore_parallel>], iteration_bounds = array<i64: 2, 16>, scalar_prefetch = 0 : i64, scratch_operands = 10 : i64, tpu.core_type = #tpu.core_type<sc_vector_subcore>, window_params = [{transform_indices = #map}, {transform_indices = #map1}, {transform_indices = #map1}, {transform_indices = #map1}, {transform_indices = #map1}, {transform_indices = #map1}, {transform_indices = #map1}]} {
    %mul3A = arith.constant 2 : i32
    %mul3A_0 = arith.muli %arg1, %mul3A : i32
    %add3A = arith.addi %mul3A_0, %arg0 : i32
    %mul3A_1 = arith.constant 128 : i32
    %mul3A_2 = arith.muli %add3A, %mul3A_1 : i32
    "tpu.region"() ({
      %run_scoped3A = tpu.sem_alloc : memref<!tpu.dma_semaphore, #tpu.memory_space<semaphore_mem>>
      %dma_start3A_35 = tpu.memref_slice %arg2[%mul3A_2] : memref<4096xi32, #tpu.memory_space<hbm>> -> memref<128xi32, #tpu.memory_space<hbm>>
      %dma_start3A_36 = tpu.memref_slice %arg2[%mul3A_2] : memref<4096xi32, #tpu.memory_space<hbm>> -> memref<128xi32, #tpu.memory_space<hbm>>
      tpu.enqueue_dma source(%dma_start3A_36 : memref<128xi32, #tpu.memory_space<hbm>>) target(%arg9 : memref<128xi32, #tpu.memory_space<vmem>>) target_semaphore(%run_scoped3A : memref<!tpu.dma_semaphore, #tpu.memory_space<semaphore_mem>>)
      %dma_wait3A_37 = tpu.memref_slice %arg2[%mul3A_2] : memref<4096xi32, #tpu.memory_space<hbm>> -> memref<128xi32, #tpu.memory_space<hbm>>
      %dma_wait3A_38 = tpu.memref_slice %arg2[%mul3A_2] : memref<4096xi32, #tpu.memory_space<hbm>> -> memref<128xi32, #tpu.memory_space<hbm>>
      tpu.wait_dma2 semaphore(%run_scoped3A : memref<!tpu.dma_semaphore, #tpu.memory_space<semaphore_mem>>) src(%dma_wait3A_38 : memref<128xi32, #tpu.memory_space<hbm>>) dst(%arg9 : memref<128xi32, #tpu.memory_space<vmem>>)
      tpu.yield
    }) : () -> ()
    %dma_start3A = arith.constant 0 : i32
    %dma_start3A_3 = arith.constant 0 : i32
    %dma_start3A_4 = tpu.memref_slice %arg3[%dma_start3A, %dma_start3A_3] : memref<100000x16xi32, #tpu.memory_space<hbm>> -> memref<100000x16xi32, #tpu.memory_space<hbm>>
    tpu.enqueue_indirect_dma source(%dma_start3A_4 : memref<100000x16xi32, #tpu.memory_space<hbm>>) target(%arg10 : memref<128x16xi32, #tpu.memory_space<vmem>>) offsets(%arg9 : memref<128xi32, #tpu.memory_space<vmem>>) semaphore(%arg15 : memref<!tpu.dma_semaphore, #tpu.memory_space<semaphore_mem>>)
    %dma_start3A_5 = arith.constant 0 : i32
    %dma_start3A_6 = arith.constant 0 : i32
    %dma_start3A_7 = tpu.memref_slice %arg4[%dma_start3A_5, %dma_start3A_6] : memref<100000x16xi32, #tpu.memory_space<hbm>> -> memref<100000x16xi32, #tpu.memory_space<hbm>>
    tpu.enqueue_indirect_dma source(%dma_start3A_7 : memref<100000x16xi32, #tpu.memory_space<hbm>>) target(%arg11 : memref<128x16xi32, #tpu.memory_space<vmem>>) offsets(%arg9 : memref<128xi32, #tpu.memory_space<vmem>>) semaphore(%arg16 : memref<!tpu.dma_semaphore, #tpu.memory_space<semaphore_mem>>)
    %dma_wait3A = arith.constant 0 : i32
    %dma_wait3A_8 = arith.constant 0 : i32
    %dma_wait3A_9 = tpu.memref_slice %arg3[%dma_wait3A, %dma_wait3A_8] : memref<100000x16xi32, #tpu.memory_space<hbm>> -> memref<100000x16xi32, #tpu.memory_space<hbm>>
    tpu.wait_indirect_dma semaphore(%arg15 : memref<!tpu.dma_semaphore, #tpu.memory_space<semaphore_mem>>) src(%dma_wait3A_9 : memref<100000x16xi32, #tpu.memory_space<hbm>>) dst(%arg10 : memref<128x16xi32, #tpu.memory_space<vmem>>)
    %scan3A = arith.constant 0 : i32
    %scan3A_10 = arith.constant 0 : i32
    %scan3A_11 = arith.constant 128 : i32
    %scan3A_12 = arith.addi %scan3A_10, %scan3A_11 : i32
    %scan3A_13 = arith.constant 1 : i32
    %scan3A_14 = scf.for %scan3A_35 = %scan3A_10 to %scan3A_12 step %scan3A_13 iter_args(%scan3A_36 = %scan3A) -> (i32)  : i32 {
      %get3A = arith.index_cast %scan3A_35 : i32 to index
      %get3A_37 = arith.constant 0 : index
      %get3A_38 = tpu.vector_load %arg10[%get3A, %get3A_37] {strides = array<i32>} : memref<128x16xi32, #tpu.memory_space<vmem>>, vector<1x16xi32>,
      %get3A_39 = vector.shape_cast %get3A_38 : vector<1x16xi32> to vector<16xi32>
      %mul3A_40 = arith.constant 16 : i32
      %mul3A_41 = arith.muli %scan3A_35, %mul3A_40 : i32
      %swap3A = arith.index_cast %mul3A_41 : i32 to index
      %swap3A_42 = tpu.vector_load %arg12[%swap3A] {strides = array<i32>} : memref<2048xi32, #tpu.memory_space<vmem>>, vector<16xi32>,
      %swap3A_43 = vector.shape_cast %swap3A_42 : vector<16xi32> to vector<16xi32>
      %swap3A_44 = vector.shape_cast %get3A_39 : vector<16xi32> to vector<16xi32>
      tpu.vector_store %arg12[%swap3A], %swap3A_44 {strides = array<i32>} : memref<2048xi32, #tpu.memory_space<vmem>>, vector<16xi32>,
      %scan3A_45 = arith.constant 0 : i32
      scf.yield %scan3A_45 : i32
    }
    %scan3A_15 = arith.constant 128 : i32
    %dma_start3A_16 = arith.constant 0 : i32
    %dma_start3A_17 = arith.constant 0 : i32
    %dma_start3A_18 = tpu.memref_slice %arg3[%dma_start3A_16, %dma_start3A_17] : memref<100000x16xi32, #tpu.memory_space<hbm>> -> memref<100000x16xi32, #tpu.memory_space<hbm>>
    tpu.enqueue_indirect_dma source(%dma_start3A_18 : memref<100000x16xi32, #tpu.memory_space<hbm>>) target(%arg13 : memref<2048x16xi32, #tpu.memory_space<vmem>>) offsets(%arg12 : memref<2048xi32, #tpu.memory_space<vmem>>) semaphore(%arg17 : memref<!tpu.dma_semaphore, #tpu.memory_space<semaphore_mem>>)
    %dma_start3A_19 = arith.constant 0 : i32
    %dma_start3A_20 = arith.constant 0 : i32
    %dma_start3A_21 = tpu.memref_slice %arg4[%dma_start3A_19, %dma_start3A_20] : memref<100000x16xi32, #tpu.memory_space<hbm>> -> memref<100000x16xi32, #tpu.memory_space<hbm>>
    tpu.enqueue_indirect_dma source(%dma_start3A_21 : memref<100000x16xi32, #tpu.memory_space<hbm>>) target(%arg14 : memref<2048x16xi32, #tpu.memory_space<vmem>>) offsets(%arg12 : memref<2048xi32, #tpu.memory_space<vmem>>) semaphore(%arg18 : memref<!tpu.dma_semaphore, #tpu.memory_space<semaphore_mem>>)
    "tpu.region"() ({
      %run_scoped3A = tpu.sem_alloc : memref<!tpu.dma_semaphore, #tpu.memory_space<semaphore_mem>>
      %dma_start3A_35 = arith.constant 0 : i32
      %dma_start3A_36 = tpu.memref_slice %arg5[%mul3A_2, %dma_start3A_35] : memref<4096x16xi32, #tpu.memory_space<hbm>> -> memref<128x16xi32, #tpu.memory_space<hbm>>
      %dma_start3A_37 = arith.constant 0 : i32
      %dma_start3A_38 = tpu.memref_slice %arg5[%mul3A_2, %dma_start3A_37] : memref<4096x16xi32, #tpu.memory_space<hbm>> -> memref<128x16xi32, #tpu.memory_space<hbm>>
      tpu.enqueue_dma source(%arg10 : memref<128x16xi32, #tpu.memory_space<vmem>>) target(%dma_start3A_38 : memref<128x16xi32, #tpu.memory_space<hbm>>) target_semaphore(%run_scoped3A : memref<!tpu.dma_semaphore, #tpu.memory_space<semaphore_mem>>)
      %dma_wait3A_39 = arith.constant 0 : i32
      %dma_wait3A_40 = tpu.memref_slice %arg5[%mul3A_2, %dma_wait3A_39] : memref<4096x16xi32, #tpu.memory_space<hbm>> -> memref<128x16xi32, #tpu.memory_space<hbm>>
      %dma_wait3A_41 = arith.constant 0 : i32
      %dma_wait3A_42 = tpu.memref_slice %arg5[%mul3A_2, %dma_wait3A_41] : memref<4096x16xi32, #tpu.memory_space<hbm>> -> memref<128x16xi32, #tpu.memory_space<hbm>>
      tpu.wait_dma2 semaphore(%run_scoped3A : memref<!tpu.dma_semaphore, #tpu.memory_space<semaphore_mem>>) src(%arg10 : memref<128x16xi32, #tpu.memory_space<vmem>>) dst(%dma_wait3A_42 : memref<128x16xi32, #tpu.memory_space<hbm>>)
      tpu.yield
    }) : () -> ()
    %dma_wait3A_22 = arith.constant 0 : i32
    %dma_wait3A_23 = arith.constant 0 : i32
    %dma_wait3A_24 = tpu.memref_slice %arg4[%dma_wait3A_22, %dma_wait3A_23] : memref<100000x16xi32, #tpu.memory_space<hbm>> -> memref<100000x16xi32, #tpu.memory_space<hbm>>
    tpu.wait_indirect_dma semaphore(%arg16 : memref<!tpu.dma_semaphore, #tpu.memory_space<semaphore_mem>>) src(%dma_wait3A_24 : memref<100000x16xi32, #tpu.memory_space<hbm>>) dst(%arg11 : memref<128x16xi32, #tpu.memory_space<vmem>>)
    "tpu.region"() ({
      %run_scoped3A = tpu.sem_alloc : memref<!tpu.dma_semaphore, #tpu.memory_space<semaphore_mem>>
      %dma_start3A_35 = arith.constant 0 : i32
      %dma_start3A_36 = tpu.memref_slice %arg6[%mul3A_2, %dma_start3A_35] : memref<4096x16xi32, #tpu.memory_space<hbm>> -> memref<128x16xi32, #tpu.memory_space<hbm>>
      %dma_start3A_37 = arith.constant 0 : i32
      %dma_start3A_38 = tpu.memref_slice %arg6[%mul3A_2, %dma_start3A_37] : memref<4096x16xi32, #tpu.memory_space<hbm>> -> memref<128x16xi32, #tpu.memory_space<hbm>>
      tpu.enqueue_dma source(%arg11 : memref<128x16xi32, #tpu.memory_space<vmem>>) target(%dma_start3A_38 : memref<128x16xi32, #tpu.memory_space<hbm>>) target_semaphore(%run_scoped3A : memref<!tpu.dma_semaphore, #tpu.memory_space<semaphore_mem>>)
      %dma_wait3A_39 = arith.constant 0 : i32
      %dma_wait3A_40 = tpu.memref_slice %arg6[%mul3A_2, %dma_wait3A_39] : memref<4096x16xi32, #tpu.memory_space<hbm>> -> memref<128x16xi32, #tpu.memory_space<hbm>>
      %dma_wait3A_41 = arith.constant 0 : i32
      %dma_wait3A_42 = tpu.memref_slice %arg6[%mul3A_2, %dma_wait3A_41] : memref<4096x16xi32, #tpu.memory_space<hbm>> -> memref<128x16xi32, #tpu.memory_space<hbm>>
      tpu.wait_dma2 semaphore(%run_scoped3A : memref<!tpu.dma_semaphore, #tpu.memory_space<semaphore_mem>>) src(%arg11 : memref<128x16xi32, #tpu.memory_space<vmem>>) dst(%dma_wait3A_42 : memref<128x16xi32, #tpu.memory_space<hbm>>)
      tpu.yield
    }) : () -> ()
    %dma_wait3A_25 = arith.constant 0 : i32
    %dma_wait3A_26 = arith.constant 0 : i32
    %dma_wait3A_27 = tpu.memref_slice %arg3[%dma_wait3A_25, %dma_wait3A_26] : memref<100000x16xi32, #tpu.memory_space<hbm>> -> memref<100000x16xi32, #tpu.memory_space<hbm>>
    tpu.wait_indirect_dma semaphore(%arg17 : memref<!tpu.dma_semaphore, #tpu.memory_space<semaphore_mem>>) src(%dma_wait3A_27 : memref<100000x16xi32, #tpu.memory_space<hbm>>) dst(%arg13 : memref<2048x16xi32, #tpu.memory_space<vmem>>)
    %mul3A_28 = arith.constant 2048 : i32
    %mul3A_29 = arith.muli %add3A, %mul3A_28 : i32
    "tpu.region"() ({
      %run_scoped3A = tpu.sem_alloc : memref<!tpu.dma_semaphore, #tpu.memory_space<semaphore_mem>>
      %dma_start3A_35 = arith.constant 0 : i32
      %dma_start3A_36 = tpu.memref_slice %arg7[%mul3A_29, %dma_start3A_35] : memref<65536x16xi32, #tpu.memory_space<hbm>> -> memref<2048x16xi32, #tpu.memory_space<hbm>>
      %dma_start3A_37 = arith.constant 0 : i32
      %dma_start3A_38 = tpu.memref_slice %arg7[%mul3A_29, %dma_start3A_37] : memref<65536x16xi32, #tpu.memory_space<hbm>> -> memref<2048x16xi32, #tpu.memory_space<hbm>>
      tpu.enqueue_dma source(%arg13 : memref<2048x16xi32, #tpu.memory_space<vmem>>) target(%dma_start3A_38 : memref<2048x16xi32, #tpu.memory_space<hbm>>) target_semaphore(%run_scoped3A : memref<!tpu.dma_semaphore, #tpu.memory_space<semaphore_mem>>)
      %dma_wait3A_39 = arith.constant 0 : i32
      %dma_wait3A_40 = tpu.memref_slice %arg7[%mul3A_29, %dma_wait3A_39] : memref<65536x16xi32, #tpu.memory_space<hbm>> -> memref<2048x16xi32, #tpu.memory_space<hbm>>
      %dma_wait3A_41 = arith.constant 0 : i32
      %dma_wait3A_42 = tpu.memref_slice %arg7[%mul3A_29, %dma_wait3A_41] : memref<65536x16xi32, #tpu.memory_space<hbm>> -> memref<2048x16xi32, #tpu.memory_space<hbm>>
      tpu.wait_dma2 semaphore(%run_scoped3A : memref<!tpu.dma_semaphore, #tpu.memory_space<semaphore_mem>>) src(%arg13 : memref<2048x16xi32, #tpu.memory_space<vmem>>) dst(%dma_wait3A_42 : memref<2048x16xi32, #tpu.memory_space<hbm>>)
      tpu.yield
    }) : () -> ()
    %dma_wait3A_30 = arith.constant 0 : i32
    %dma_wait3A_31 = arith.constant 0 : i32
    %dma_wait3A_32 = tpu.memref_slice %arg4[%dma_wait3A_30, %dma_wait3A_31] : memref<100000x16xi32, #tpu.memory_space<hbm>> -> memref<100000x16xi32, #tpu.memory_space<hbm>>
    tpu.wait_indirect_dma semaphore(%arg18 : memref<!tpu.dma_semaphore, #tpu.memory_space<semaphore_mem>>) src(%dma_wait3A_32 : memref<100000x16xi32, #tpu.memory_space<hbm>>) dst(%arg14 : memref<2048x16xi32, #tpu.memory_space<vmem>>)
    %mul3A_33 = arith.constant 2048 : i32
    %mul3A_34 = arith.muli %add3A, %mul3A_33 : i32
    "tpu.region"() ({
      %run_scoped3A = tpu.sem_alloc : memref<!tpu.dma_semaphore, #tpu.memory_space<semaphore_mem>>
      %dma_start3A_35 = arith.constant 0 : i32
      %dma_start3A_36 = tpu.memref_slice %arg8[%mul3A_34, %dma_start3A_35] : memref<65536x16xi32, #tpu.memory_space<hbm>> -> memref<2048x16xi32, #tpu.memory_space<hbm>>
      %dma_start3A_37 = arith.constant 0 : i32
      %dma_start3A_38 = tpu.memref_slice %arg8[%mul3A_34, %dma_start3A_37] : memref<65536x16xi32, #tpu.memory_space<hbm>> -> memref<2048x16xi32, #tpu.memory_space<hbm>>
      tpu.enqueue_dma source(%arg14 : memref<2048x16xi32, #tpu.memory_space<vmem>>) target(%dma_start3A_38 : memref<2048x16xi32, #tpu.memory_space<hbm>>) target_semaphore(%run_scoped3A : memref<!tpu.dma_semaphore, #tpu.memory_space<semaphore_mem>>)
      %dma_wait3A_39 = arith.constant 0 : i32
      %dma_wait3A_40 = tpu.memref_slice %arg8[%mul3A_34, %dma_wait3A_39] : memref<65536x16xi32, #tpu.memory_space<hbm>> -> memref<2048x16xi32, #tpu.memory_space<hbm>>
      %dma_wait3A_41 = arith.constant 0 : i32
      %dma_wait3A_42 = tpu.memref_slice %arg8[%mul3A_34, %dma_wait3A_41] : memref<65536x16xi32, #tpu.memory_space<hbm>> -> memref<2048x16xi32, #tpu.memory_space<hbm>>
      tpu.wait_dma2 semaphore(%run_scoped3A : memref<!tpu.dma_semaphore, #tpu.memory_space<semaphore_mem>>) src(%arg14 : memref<2048x16xi32, #tpu.memory_space<vmem>>) dst(%dma_wait3A_42 : memref<2048x16xi32, #tpu.memory_space<hbm>>)
      tpu.yield
    }) : () -> ()
    return
  }
}

</mosaic_0001>

<sc_bundles>
// kernel: kernel.4.cloned.1.call-start
scs
__scs_entry_jumppad:
0x0: {  	(pc) =	sbr.rel $0x88, $3  }
0x1: {  	(tag) =	ssettag $0x0;
	lr =	simm.s32 $0x1  }
0x2: {  	[smem:$0x3F9E] =	sst lr;
	_ =	strace $0xD0000000  }
0x3: {  	_ = 	snop  }
0x4: {  	_ = 	snop  }
0x5: {  	_ = 	snop  }
0x6: {  	_ = 	snop  }
0x7: {  	_ = 	snop  }
__scs_overlays_trampoline_lowered:
0x8: {  	[smem:$0x3FAD] =	sst s0  }
0x9: {  	[smem:$0x3FAE] =	sst s1  }
0xa: {  	[smem:$0x3FAF] =	sst s2  }
0xb: {  	[smem:$0x3FB0] =	sst s3  }
0xc: {  	[smem:$0x3FB1] =	sst s4  }
0xd: {  	[smem:$0x3FB2] =	sst s5  }
0xe: {  	[smem:$0x3FB3] =	sst s6  }
0xf: {  	[smem:$0x3FB4] =	sst s7  }
0x10: {  	[smem:$0x3FB5] =	sst s8  }
0x11: {  	[smem:$0x3FB6] =	sst s9;
	s0 =	simm.s32 @!p0 $0x0  }
0x12: {  	s1 =	sld [smem:$0x3F9C];
	s0 =	simm.s32 @p0 $0x1  }
0x13: {  	[smem:$0x3FB7] =	sst s0;
	s0 =	simm.s32 @!p1 $0x0  }
0x14: {  	s2 =	sld [smem:$0x3F9B];
	s0 =	simm.s32 @p1 $0x1  }
0x15: {  	[smem:$0x3FB8] =	sst s0;
	s0 =	simm.s32 @!p2 $0x0  }
0x16: {  	s3 =	sld [smem:$0x3FDB];
	s0 =	simm.s32 @p2 $0x1  }
0x17: {  	s4 =	simm.s32 $0x1BF5;
	[smem:$0x3FBA] =	sst s0  }
0x18: {  	s0 =	sld [smem:$0x3F9D];
	_ =	swait.ge [sflag:s4], $0x0  }
0x19: {  	s7 =	sld [smem:$0x3F9E]  }
0x1a: {  	s8 =	sadd.s32 $0xFFFFE003, lr  }
0x1b: {  	s9 =	sadd.s32 $0xFFFFFEF7, lr;
	s5 =	simm.s32 $0xFFFFFFFF;
	p2 =	slt.u32 s8, $0xFFFFF086  }
0x1c: {  	p1 =	slt.u32 s9, $0xF7A;
	s5 =	simm.s32 @!p2 $0x0  }
0x1d: {  	s5 =	simm.s32 @p1 $0x1;
	p0 =	seq.s32 s7, s2  }
0x1e: {  	s7 =	smul.u32 @!p0 $0xF7A, s2;
	p2 =	seq.s32 @!p0 s5, $0x0  }
0x1f: {  	s9 =	smul.u32 $0xF7A, s1;
	s8 =	simm.s32 @!p0 $0x1BF5;
	p2 =	por !p2, p0  }
0x20: {  	[sflag:s8] =	ssyncset.s32 @!p0 $0xFFFFF086;
	s6 =	sadd.s32 @!p0 s3, s7;
	s7 =	simm.s32 @!p0 $0x108  }
0x21: {  	s3 =	sadd.s32 s3, s9;
	s6 =	sadd.s32 @!p0 $0x88, s6;
	s7 =	simm.s32 @p2 $0x1082  }
0x22: {  	[simem:s7], [sflag:s8] =	dma.local @!p0 [hbm:s6], $0xF7A  }
0x23: {  	s9 =	sor.u32 $0xD0000000, s2;
	s6 =	simm.s32 $0x108;
	_ =	swait.ge @!p0 [sflag:s8], $0x0  }
0x24: {  	s3 =	sadd.s32 $0x88, s3;
	s6 =	simm.s32 @!p1 $0x1082;
	[sflag:s4] =	ssyncset.s32 $0xFFFFF086  }
0x25: {  	[simem:s6], [sflag:s4] =	dma.local [hbm:s3], $0xF7A  }
0x26: {  	[smem:$0x3F9E] =	sst s1;
	(tag) =	ssettag s2;
	_ =	strace s9  }
0x27: {  	s1 =	sld [smem:$0x3FAE]  }
0x28: {  	s2 =	sld [smem:$0x3FAF]  }
0x29: {  	s4 =	sld [smem:$0x3FB1]  }
0x2a: {  	p0 =	seq.s32 s5, $0x0;
	s5 =	sld [smem:$0x3FB2]  }
0x2b: {  	s6 =	sld [smem:$0x3FB3]  }
0x2c: {  	s7 =	sld [smem:$0x3FB4]  }
0x2d: {  	s3 =	simm.s32 $0x108;
	s8 =	sld [smem:$0x3FB5]  }
0x2e: {  	s3 =	simm.s32 @!p0 $0x1082;
	s9 =	sld [smem:$0x3FB6]  }
0x2f: {  	lr =	sadd.s32 s0, s3;
	s0 =	sld [smem:$0x3FAD]  }
0x30: {  	s3 =	sld [smem:$0x3FB0]  }
0x31: {  	[smem:$0x3FB9] =	sst s10  }
0x32: {  	s10 =	sld [smem:$0x3FB7];
	_ =	sdelay $0x3  }
0x33: {  	p0 =	seq.s32 s10, $0x1;
	s10 =	sld [smem:$0x3FB9];
	_ =	sdelay $0x3  }
0x34: {  	[smem:$0x3FB9] =	sst s10  }
0x35: {  	s10 =	sld [smem:$0x3FB8];
	_ =	sdelay $0x3  }
0x36: {  	p1 =	seq.s32 s10, $0x1;
	s10 =	sld [smem:$0x3FB9];
	_ =	sdelay $0x3  }
0x37: {  	[smem:$0x3FB9] =	sst s10  }
0x38: {  	s10 =	sld [smem:$0x3FBA]  }
0x39: {  	_ = 	snop;
	(pc) =	sbr.ind lr, $3  }
0x3a: {  	_ = 	snop  }
0x3b: {  	_ = 	snop  }
0x3c: {  	p2 =	seq.s32 s10, $0x1;
	s10 =	sld [smem:$0x3FB9]  }
0x3d: {  	_ =	shalt  }
0x3e: {  	_ =	shalt  }
0x3f: {  	_ =	shalt  }
0x40: {  	_ =	shalt  }
0x41: {  	_ =	shalt  }
0x42: {  	_ =	shalt  }
0x43: {  	_ =	shalt  }
0x44: {  	_ =	shalt  }
0x45: {  	_ =	shalt  }
0x46: {  	_ =	shalt  }
0x47: {  	_ =	shalt  }
0x48: {  	_ =	shalt  }
0x49: {  	_ =	shalt  }
0x4a: {  	_ =	shalt  }
0x4b: {  	_ =	shalt  }
0x4c: {  	_ =	shalt  }
0x4d: {  	_ =	shalt  }
0x4e: {  	_ =	shalt  }
0x4f: {  	_ =	shalt  }
0x50: {  	_ =	shalt  }
0x51: {  	_ =	shalt  }
0x52: {  	_ =	shalt  }
0x53: {  	_ =	shalt  }
0x54: {  	_ =	shalt  }
0x55: {  	_ =	shalt  }
0x56: {  	_ =	shalt  }
0x57: {  	_ =	shalt  }
0x58: {  	_ =	shalt  }
0x59: {  	_ =	shalt  }
0x5a: {  	_ =	shalt  }
0x5b: {  	_ =	shalt  }
0x5c: {  	_ =	shalt  }
0x5d: {  	_ =	shalt  }
0x5e: {  	_ =	shalt  }
0x5f: {  	_ =	shalt  }
0x60: {  	_ =	shalt  }
0x61: {  	_ =	shalt  }
0x62: {  	_ =	shalt  }
0x63: {  	_ =	shalt  }
0x64: {  	_ =	shalt  }
0x65: {  	_ =	shalt  }
0x66: {  	_ =	shalt  }
0x67: {  	_ =	shalt  }
0x68: {  	_ =	shalt  }
0x69: {  	_ =	shalt  }
0x6a: {  	_ =	shalt  }
0x6b: {  	_ =	shalt  }
0x6c: {  	_ =	shalt  }
0x6d: {  	_ =	shalt  }
0x6e: {  	_ =	shalt  }
0x6f: {  	_ =	shalt  }
0x70: {  	_ =	shalt  }
0x71: {  	_ =	shalt  }
0x72: {  	_ =	shalt  }
0x73: {  	_ =	shalt  }
0x74: {  	_ =	shalt  }
0x75: {  	_ =	shalt  }
0x76: {  	_ =	shalt  }
0x77: {  	_ =	shalt  }
0x78: {  	_ =	shalt  }
0x79: {  	_ =	shalt  }
0x7a: {  	_ =	shalt  }
0x7b: {  	_ =	shalt  }
0x7c: {  	_ =	shalt  }
0x7d: {  	_ =	shalt  }
0x7e: {  	_ =	shalt  }
0x7f: {  	_ =	shalt  }
0x80: {  	_ =	shalt  }
0x81: {  	_ =	shalt  }
0x82: {  	_ =	shalt  }
0x83: {  	_ =	shalt  }
0x84: {  	_ =	shalt  }
0x85: {  	_ =	shalt  }
0x86: {  	_ =	shalt  }
0x87: {  	_ =	shalt  }
.Lfunc_end0:
.L_simem_size_0:
called_computation_lowered:
.L_overlay_start_0:
0x88: {  	s2 =	sld [smem:$0x3FD9]  }
0x89: {  	s3 =	sld [smem:$0x3FFE];
	_ =	sdelay $0x1  }
0x8a: {  	s1 =	srdreg.scid  }
0x8b: {  	s0 =	sand.u32 $0x1, s1  }
0x8c: {  	s17 =	sshll.u32 s0, $0xA;
	s2 =	sadd.s32 s3, s2  }
0x8d: {  	s2 =	sadd.s32 s2, s17  }
0x8e: {  	[smem:$0x3FC5] =	sst s2  }
0x8f: {  	_ = 	snop  }
0x90: {  	s2 =	sld [smem:$0x3FC8]  }
0x91: {  	s18 =	sld [smem:$0x3FC7];
	(tm) =	ssettm $0x1  }
0x92: {  	s4 =	sld [smem:$0x3FFB];
	_ =	sdelay $0x3  }
0x93: {  	_ =	strace s4  }
0x94: {  	s4 =	sld [smem:$0x3FFC];
	_ =	sdelay $0x3  }
0x95: {  	_ =	strace s4  }
0x96: {  	s4 =	sld [smem:$0x3FFD];
	_ =	sdelay $0x3  }
0x97: {  	_ =	strace s4  }
0x98: {  	_ =	strace $0x8FFFFFFF  }
0x99: {  	s19 =	sld [smem:$0x3FDB];
	_ =	sdelay $0x1  }
0x9a: {  	s5 =	simm.s32 $_scs_section_size  }
0x9b: {  	s6 =	simm.s32 $_size__tile_overlayer_lowered;
	s7 =	simm.s32 $_tile_overlayer_lowered  }
0x9c: {  	s22 =	simm.s32 $0x1BFF;
	s21 =	sshll.u32 s7, $0x1;
	s4 =	sadd.s32 s5, s19  }
0x9d: {  	s8 =	simm.s32 $0x0;
	s20 =	sshll.u32 s6, $0x1;
	s6 =	sadd.s32 s21, s4  }
0x9e: {  	[timem:s8], [sflag:s22] =	dma.local [hbm:s6], s20  }
0x9f: {  	_ =	swait.ge [sflag:s22], s20  }
0xa0: {  	s5 =	ssub.s32 $0x0, s20;
	[sflag:s22] =	ssyncset.done $0x0  }
0xa1: {  	[sflag:s22] =	ssyncadd.s32 s5;
	_ =	sdelay $0x1  }
0xa2: {  	s23 =	simm.s32 $0x1B8B  }
0xa3: {  	_ =	swait.ge [sflag:s23], $0x1  }
0xa4: {  	[sflag:s23] =	ssyncset.done $0x0  }
0xa5: {  	s25 =	simm.s32 $0x1B8E;
	s24 =	sld [smem:$0x3FFE];
	[sflag:s23] =	ssyncadd.s32 $0xFFFFFFFF  }
0xa6: {  	s26 =	simm.s32 $execute0_lowered;
	[smem:$0x3FD2] =	sst s25  }
0xa7: {  	s6 =	sshll.u32 s26, $0x1;
	_ =	strace $0x80000046;
	[dreg:$0x1] =	wrdreg $0xFFFFFFFF  }
0xa8: {  	s28 =	simm.s32 $_size_execute0_lowered;
	s4 =	sadd.s32 s4, s6;
	[dreg:$0x0] =	wrdreg $0x0  }
0xa9: {  	s6 =	sshll.u32 s28, $0x1;
	[dreg:$0x2] =	wrdreg s4  }
0xaa: {  	[dreg:$0x3] =	wrdreg s6  }
0xab: {  	[dreg:$0x4] =	wrdreg $0xC0  }
0xac: {  	_ =	task [dreg:s8], $0x5FFFF  }
0xad: {  	[dreg:$0x1] =	wrdreg $0xFFFFFFFF  }
0xae: {  	[dreg:$0x0] =	wrdreg $0x60  }
0xaf: {  	[dreg:$0x2] =	wrdreg s2  }
0xb0: {  	[dreg:$0x3] =	wrdreg s18  }
0xb1: {  	[dreg:$0x4] =	wrdreg s24  }
0xb2: {  	[dreg:$0x5] =	wrdreg $0x9  }
0xb3: {  	_ =	task.clear_ibuf [dreg:s8], $0x6FFFF;
	_ =	strace $0x90000046  }
0xb4: {  	s29 =	simm.s32 $0x9;
	_ =	strace $0x80000048  }
0xb5: {  	_ =	swait.ge [sflag:s29], $0x1  }
0xb6: {  	[sflag:s29] =	ssyncadd.s32 $0xFFFFFFFF  }
0xb7: {  	_ =	strace $0x90000048  }
0xb8: {  	_ =	sfence  }
0xb9: {  	s30 =	sld [smem:$0x0];
	_ =	sdelay $0x2  }
0xba: {  	s31 =	sshll.u32 s1, $0xD;
	s1 =	sshrl.u32 s1, $0x2  }
0xbb: {  	s3 =	sand.u32 $0x4000, s31;
	s1 =	sadd.s32 s1, s30  }
0xbc: {  	s0 =	sor.u32 s3, s0;
	s1 =	sshll.u32 s1, $0x11  }
0xbd: {  	s0 =	sor.u32 s1, s0  }
0xbe: {  	s0 =	sadd.s32 $0x8F2B, s0  }
0xbf: {  	[sflag:s0] =	ssyncadd.remote.s32 $0x1  }
0xc0: {  	_ =	sfence.sel $0xFFFF  }
0xc1: {  	[dreg:$0x0] =	wrdreg $0xFFFFFFFF;
	(pc) =	sbr.abs _section_cstart, $3  }
0xc2: {  	[dreg:$0x1] =	wrdreg $0xFFFFFFFF  }
0xc3: {  	_ =	task.clear_ibuf [dreg:s8], $0x2FFFF;
	_ =	strace $0x9FFFFFFF  }
0xc4: {  	(tm) =	ssettm $0x7FFFFFFF  }
0xc5: {  	_ =	shalt  }
tec
execute0_lowered:
.L_overlay_start_1:
0x0: {  	(tag) =	ssettag $0x1  }
0x1: {  	s0 =	rddreg [dreg:$0x0];
	v0 =	vimm.s32 $0x1380;
	vm0 =	vcmask $0x300  }
0x2: {  	s2 =	rddreg [dreg:$0x1];
	vm14 =	vcmask $0x704;
	v0 =	vsel vm0, $0x0, v0  }
0x3: {  	s1 =	rddreg [dreg:$0x2];
	s3 =	simm.s32 $0x0;
	s4 =	srdreg.scid;
	vm15 =	vcmask $0xB08;
	v0 =	vsel vm14, $0x80, v0  }
0x4: {  	vm4 =	vcmask $0xF0C;
	s5 =	stileid.u32;
	s17 =	simm.s32 $0xC3800;
	s18 =	simm.s32 $0x2;
	v0 =	vsel vm15, $0x100, v0  }
0x5: {  	vm5 =	vcmask $0x1310;
	s19 =	simm.s32 $0x2000;
	s20 =	simm.s32 $0x1;
	s21 =	simm.s32 $0x400;
	v0 =	vsel vm4, $0x180, v0  }
0x6: {  	vm6 =	vcmask $0x1714;
	s22 =	simm.s32 $0x4000;
	s24 =	simm.s32 $0x5000;
	s25 =	simm.s32 $0x5800;
	v0 =	vsel vm5, $0x200, v0  }
0x7: {  	vm7 =	vcmask $0x1B18;
	s26 =	simm.s32 $0x0;
	[smem:$0x7FF] =	sst s3;
	s16 =	sand.u32 $0x1, s4;
	v0 =	vsel vm6, $0x280, v0  }
0x8: {  	vm8 =	vcmask $0x1F1C;
	s4 =	sadd.s32 $0x1800, s1;
	s6 =	sadd.s32 $0x32600, s1;
	s31 =	sadd.s32 $0x18600, s0;
	v0 =	vsel vm7, $0x300, v0  }
0x9: {  	vm9 =	vcmask $0x2320;
	p2 =	seq.s32 s5, $0xE;
	s9 =	sadd.s32 $0x18600, s2;
	s10 =	sadd.s32 $0x63200, s1;
	v0 =	vsel vm8, $0x380, v0  }
0xa: {  	vm10 =	vcmask $0x2724;
	s11 =	sadd.s32 $0x18680, s0;
	s12 =	sadd.s32 $0x32500, s1;
	s13 =	sadd.s32 $0x18680, s2;
	v0 =	vsel vm9, $0x1000, v0  }
0xb: {  	vm11 =	vcmask $0x2B28;
	s14 =	sadd.s32 $0x63300, s1;
	p4 =	sne.s32 s5, $0xF;
	_ =	strace $0x80000047;
	v0 =	vsel vm10, $0x1080, v0  }
.Ltmp0:
0xc: {  	vm12 =	vcmask $0x2F2C;
	s7 =	ssub.s32 $0x2, s16;
	p1 =	seq.s32 s16, $0x0;
	v0 =	vsel vm11, $0x1100, v0;
	(pc) =	sbr.rel .LBB2_1-.Ltmp0, $4  }
0xd: {  	vm13 =	vcmask $0x3330;
	[dreg:$0x4] =	wrdreg s31;
	p0 =	seq.s32 s16, $0x1;
	p3 =	sne.s32 s16, $0x0;
	v0 =	vsel vm12, $0x1180, v0  }
0xe: {  	v1 =	vlaneseq.u32;
	s16 =	simm.s32 $0x1000;
	vm14 =	vcmask $0x3734;
	s8 =	sshrl.u32 s7, $0x1;
	p1 =	por !p1, !p2;
	v0 =	vsel vm13, $0x1200, v0  }
0xf: {  	v1 =	vmul.u32 $0x80, v1;
	p2 =	por !p2, !p0;
	vm15 =	vcmask $0x3B38;
	s15 =	ssub.s32 s7, s8;
	s8 =	sadd.s32 $0x32400, s1;
	v0 =	vsel vm14, $0x1280, v0  }
0x10: {  	p1 =	por !p1, !p1;
	p2 =	por !p2, !p2;
	s15 =	smax.u32 s15, $0x1;
	v0 =	vsel vm15, $0x1300, v0  }
.LBB2_31:
0x11: {  	s26 =	sadd.s32 $0x1, s26  }
0x12: {  	p5 =	sne.s32 s26, s15  }
.Ltmp1:
0x13: {  	_ = 	snop;
	(pc) =	sbr.rel @!p5 .LBB2_32-.Ltmp1, $1  }
0x14: {  	_ =	sdelay $0x3  }
.LBB2_1:
.Ltmp2:
0x15: {  	(pc) =	sbr.rel @p3 .LBB2_12-.Ltmp2, $1  }
0x16: {  	_ =	sdelay $0x3  }
.Ltmp3:
0x17: {  	(pc) =	sbr.rel .LBB2_3-.Ltmp3, $2  }
0x18: {  	_ =	sdelay $0x2  }
0x19: {  	s28 =	simm.s32 $0x0  }
.LBB2_7:
0x1a: {  	s28 =	sadd.s32 $0x1, s28  }
0x1b: {  	p5 =	sne.s32 s28, $0xD  }
.Ltmp4:
0x1c: {  	_ = 	snop;
	(pc) =	sbr.rel @!p5 .LBB2_8-.Ltmp4, $1  }
0x1d: {  	_ =	sdelay $0x3  }
.LBB2_3:
0x1e: {  	s1 =	sshll.u32 s28, $0x4  }
0x1f: {  	s29 =	sor.u32 s5, s1  }
0x20: {  	p5 =	sgt.u32 s29, $0xC2  }
.Ltmp5:
0x21: {  	_ = 	snop;
	(pc) =	sbr.rel @p5 .LBB2_7-.Ltmp5, $1  }
0x22: {  	_ =	sdelay $0x3  }
0x23: {  	s1 =	simm.s32 $0x0  }
0x24: {  	s30 =	simm.s32 $0x1;
	s31 =	simm.s32 $0x2;
	s23 =	simm.s32 $0x3;
	v2 =	vmov s1  }
0x25: {  	s7 =	simm.s32 $0x4;
	v4 =	vmov s30;
	v5 =	vmov s31;
	v6 =	vmov s23  }
0x26: {  	s30 =	simm.s32 $0x5;
	s31 =	simm.s32 $0x6;
	v7 =	vmov s7;
	v3 =	vand.u32 $0x78, v2;
	v2 =	vshll.u32 v2, $0x3  }
0x27: {  	v8 =	vmov s30;
	v9 =	vmov s31;
	v10 =	vand.u32 $0x79, v4  }
0x28: {  	s7 =	simm.s32 $0x7;
	v11 =	vand.u32 $0x7A, v5;
	v12 =	vand.u32 $0x7B, v6;
	v13 =	vand.u32 $0x7C, v7  }
0x29: {  	v4 =	vshll.u32 v4, $0x3;
	v5 =	vshll.u32 v5, $0x3;
	v16 =	vmov s7  }
0x2a: {  	v6 =	vshll.u32 v6, $0x3;
	v7 =	vshll.u32 v7, $0x3;
	v14 =	vand.u32 $0x7D, v8  }
0x2b: {  	v15 =	vand.u32 $0x7E, v9;
	v17 =	vshll.u32 v16, $0x3;
	v8 =	vshll.u32 v8, $0x3  }
0x2c: {  	v16 =	vand.u32 $0x7F, v16;
	v4 =	vand.u32 $0xC00, v4;
	v9 =	vshll.u32 v9, $0x3  }
0x2d: {  	s7 =	sshll.u32 s29, $0x9;
	v5 =	vand.u32 $0xC00, v5;
	v17 =	vand.u32 $0xC00, v17;
	v4 =	vor.u32 v4, v10  }
0x2e: {  	s23 =	sadd.s32 s0, s7;
	v6 =	vand.u32 $0xC00, v6;
	v16 =	vor.u32 v17, v16;
	v4 =	vor.u32 v0, v4  }
0x2f: {  	v7 =	vand.u32 $0xC00, v7;
	[tilespmem:s1], [sflag:$0x2] =	stream.strided.gather [hbm4b:s23+s16], $0x2000, s17, s16, $0x38;
	v5 =	vor.u32 v5, v11;
	v10 =	vor.u32 v0, v16;
	[tilespmem:$0x5A00] =	vst v63  }
0x30: {  	v2 =	vand.u32 $0xC00, v2;
	v6 =	vor.u32 v6, v12;
	_ =	swait.ge [sflag:s18], $0x2000;
	v5 =	vor.u32 v0, v5  }
0x31: {  	v11 =	vor.u32 v0, v6;
	v6 =	vor.u32 v7, v13;
	v7 =	vand.u32 $0xC00, v8;
	[sflag:s18] =	ssyncset.done $0x0  }
0x32: {  	s23 =	simm.s32 $0x9;
	v8 =	vor.u32 v0, v6;
	v6 =	vor.u32 v7, v14;
	v7 =	vand.u32 $0xC00, v9;
	[sflag:s18] =	ssyncadd.s32 $0xFFFFE000  }
0x33: {  	s7 =	simm.s32 $0x8;
	v19 =	vmov s23;
	v12 =	vor.u32 v0, v6;
	v6 =	vor.u32 v7, v15;
	v4 =	vld.idx.msk [tilespmem:v4+s3+$0x0], $0xffff  }
0x34: {  	v9 =	vor.u32 v2, v3;
	v7 =	vmov s7;
	v24 =	vor.u32 v0, v6;
	v23 =	vld.idx.msk [tilespmem:v10+s3+$0x0], $0xffff  }
0x35: {  	s30 =	simm.s32 $0xB;
	s23 =	simm.s32 $0xC;
	v2 =	vand.u32 $0x78, v7;
	v3 =	vshll.u32 v7, $0x3;
	v7 =	vor.u32 v0, v9;
	v6 =	vld.idx.msk [tilespmem:v5+s3+$0x0], $0xffff  }
0x36: {  	v16 =	vmov s30;
	s30 =	simm.s32 $0xE;
	v22 =	vmov s23;
	s7 =	simm.s32 $0xA;
	v9 =	vld.idx.msk [tilespmem:v11+s3+$0x0], $0xffff  }
0x37: {  	v18 =	vand.u32 $0x79, v19;
	v17 =	vmov s30;
	v20 =	vmov s7;
	s7 =	simm.s32 $0xD;
	v8 =	vld.idx.msk [tilespmem:v8+s3+$0x0], $0xffff  }
0x38: {  	s30 =	simm.s32 $0x2040;
	v14 =	vand.u32 $0x7B, v16;
	v13 =	vand.u32 $0x7C, v22;
	v21 =	vmov s7;
	v10 =	vld.idx.msk [tilespmem:v12+s3+$0x0], $0xffff  }
0x39: {  	s31 =	simm.s32 $0x10;
	s1 =	simm.s32 $0xF;
	v15 =	vand.u32 $0x7A, v20;
	v11 =	vand.u32 $0x7D, v21;
	v5 =	vand.u32 $0x7E, v17;
	v12 =	vld.idx.msk [tilespmem:v24+s3+$0x0], $0xffff;
	[tilespmem:s30+$0x30] =	vst v23  }
.LBB2_5:
0x3a: {  	p5 =	slt.u32 s31, $0x1F8;
	v19 =	vshll.u32 v19, $0x3;
	v20 =	vshll.u32 v20, $0x3;
	v23 =	vmov s1;
	v7 =	vld.idx.msk [tilespmem:v7+s3+$0x0], $0xffff;
	[tilespmem:s30+$0xFFFFFFD0] =	vst v4  }
0x3b: {  	v4 =	vshll.u32 v16, $0x3;
	v16 =	vshll.u32 v22, $0x3;
	v22 =	vshll.u32 v23, $0x3;
	[tilespmem:s30+$0xFFFFFFE0] =	vst v6  }
0x3c: {  	v6 =	vshll.u32 v21, $0x3;
	v21 =	vand.u32 $0x7F, v23;
	v22 =	vand.u32 $0xC00, v22;
	[tilespmem:s30+$0xFFFFFFF0] =	vst v9  }
0x3d: {  	v17 =	vshll.u32 v17, $0x3;
	v9 =	vand.u32 $0xC00, v19;
	v19 =	vor.u32 v22, v21;
	[tilespmem:s30+$0x0] =	vst v8  }
0x3e: {  	v8 =	vor.u32 v9, v18;
	v9 =	vand.u32 $0xC00, v20;
	v18 =	vor.u32 v0, v19;
	[tilespmem:s30+$0x10] =	vst v10  }
0x3f: {  	v4 =	vand.u32 $0xC00, v4;
	v8 =	vor.u32 v0, v8;
	v9 =	vor.u32 v9, v15;
	[tilespmem:s30+$0x20] =	vst v12  }
0x40: {  	v4 =	vor.u32 v4, v14;
	v10 =	vand.u32 $0xC00, v16;
	v9 =	vor.u32 v0, v9;
	[tilespmem:s30+$0xFFFFFFC0] =	vst v7  }
0x41: {  	v6 =	vand.u32 $0xC00, v6;
	v12 =	vor.u32 v0, v4;
	v4 =	vor.u32 v10, v13  }
0x42: {  	v10 =	vor.u32 v0, v4;
	v4 =	vor.u32 v6, v11;
	v6 =	vand.u32 $0xC00, v17  }
0x43: {  	v3 =	vand.u32 $0xC00, v3;
	v11 =	vor.u32 v0, v4;
	v5 =	vor.u32 v6, v5;
	v23 =	vld.idx.msk [tilespmem:v18+s3+$0x0], $0xffff  }
0x44: {  	s1 =	sadd.s32 $0x1, s31;
	v7 =	vor.u32 v3, v2;
	v6 =	vmov s31;
	v24 =	vor.u32 v0, v5;
	v4 =	vld.idx.msk [tilespmem:v8+s3+$0x0], $0xffff  }
.Ltmp6:
0x45: {  	s23 =	sadd.s32 $0x2, s31;
	s7 =	sadd.s32 $0x3, s31;
	v7 =	vor.u32 v0, v7;
	v2 =	vand.u32 $0x78, v6;
	v3 =	vshll.u32 v6, $0x3;
	v6 =	vld.idx.msk [tilespmem:v9+s3+$0x0], $0xffff;
	(pc) =	sbr.rel @p5 .LBB2_5-.Ltmp6, $4  }
0x46: {  	v20 =	vmov s23;
	s23 =	sadd.s32 $0x6, s31;
	v19 =	vmov s1;
	v16 =	vmov s7;
	s1 =	sadd.s32 $0x4, s31;
	s7 =	sadd.s32 $0x5, s31;
	v9 =	vld.idx.msk [tilespmem:v12+s3+$0x0], $0xffff  }
0x47: {  	v22 =	vmov s1;
	v21 =	vmov s7;
	v17 =	vmov s23;
	v8 =	vld.idx.msk [tilespmem:v10+s3+$0x0], $0xffff  }
0x48: {  	v15 =	vand.u32 $0x7A, v20;
	v14 =	vand.u32 $0x7B, v16;
	s30 =	sadd.s32 $0x80, s30;
	v18 =	vand.u32 $0x79, v19;
	v10 =	vld.idx.msk [tilespmem:v11+s3+$0x0], $0xffff  }
0x49: {  	s1 =	sadd.s32 $0x7, s31;
	v13 =	vand.u32 $0x7C, v22;
	s31 =	sadd.s32 $0x8, s31;
	v5 =	vand.u32 $0x7E, v17;
	v11 =	vand.u32 $0x7D, v21;
	v12 =	vld.idx.msk [tilespmem:v24+s3+$0x0], $0xffff;
	[tilespmem:s30+$0x30] =	vst v23  }
0x4a: {  	v23 =	vmov s1;
	v19 =	vshll.u32 v19, $0x3;
	v20 =	vshll.u32 v20, $0x3  }
0x4b: {  	v16 =	vshll.u32 v16, $0x3;
	v22 =	vshll.u32 v22, $0x3;
	v21 =	vshll.u32 v21, $0x3  }
0x4c: {  	v17 =	vshll.u32 v17, $0x3;
	v3 =	vand.u32 $0xC00, v3;
	v24 =	vshll.u32 v23, $0x3  }
0x4d: {  	v23 =	vand.u32 $0x7F, v23;
	v19 =	vand.u32 $0xC00, v19;
	v2 =	vor.u32 v3, v2  }
0x4e: {  	v53 =	vand.u32 $0xC00, v20;
	v18 =	vor.u32 v19, v18;
	v2 =	vor.u32 v0, v2  }
0x4f: {  	v16 =	vand.u32 $0xC00, v16;
	v15 =	vor.u32 v53, v15;
	v18 =	vor.u32 v0, v18  }
0x50: {  	v55 =	vand.u32 $0xC00, v22;
	v14 =	vor.u32 v16, v14;
	v15 =	vor.u32 v0, v15  }
0x51: {  	[tilespmem:s30+$0xFFFFFFD0] =	vst v4;
	v57 =	vand.u32 $0xC00, v21;
	v13 =	vor.u32 v55, v13;
	v56 =	vor.u32 v0, v14  }
0x52: {  	v7 =	vld.idx.msk [tilespmem:v7+s3+$0x0], $0xffff;
	[tilespmem:s30+$0xFFFFFFE0] =	vst v6;
	v59 =	vand.u32 $0xC00, v17;
	v11 =	vor.u32 v57, v11;
	v58 =	vor.u32 v0, v13  }
0x53: {  	[tilespmem:s30+$0xFFFFFFF0] =	vst v9;
	v24 =	vand.u32 $0xC00, v24;
	v5 =	vor.u32 v59, v5;
	v60 =	vor.u32 v0, v11;
	v2 =	vld.idx.msk [tilespmem:v2+s3+$0x0], $0xffff  }
0x54: {  	[tilespmem:s30+$0x0] =	vst v8;
	v23 =	vor.u32 v24, v23;
	v5 =	vor.u32 v0, v5;
	v3 =	vld.idx.msk [tilespmem:v18+s3+$0x0], $0xffff  }
0x55: {  	[tilespmem:s30+$0x10] =	vst v10;
	v54 =	vor.u32 v0, v23;
	v62 =	vld.idx.msk [tilespmem:v15+s3+$0x0], $0xffff  }
0x56: {  	[tilespmem:s30+$0x20] =	vst v12;
	v4 =	vld.idx.msk [tilespmem:v56+s3+$0x0], $0xffff  }
0x57: {  	[tilespmem:s30+$0xFFFFFFC0] =	vst v7;
	s30 =	sadd.s32 $0x80, s30;
	v6 =	vld.idx.msk [tilespmem:v58+s3+$0x0], $0xffff  }
0x58: {  	v63 =	vld.idx.msk [tilespmem:v60+s3+$0x0], $0xffff;
	[tilespmem:s30+$0xFFFFFFC0] =	vst v2  }
0x59: {  	v5 =	vld.idx.msk [tilespmem:v5+s3+$0x0], $0xffff;
	[tilespmem:s30+$0xFFFFFFD0] =	vst v3  }
0x5a: {  	v61 =	vld.idx.msk [tilespmem:v54+s3+$0x0], $0xffff;
	[tilespmem:s30+$0xFFFFFFE0] =	vst v62  }
0x5b: {  	[tilespmem:s30+$0xFFFFFFF0] =	vst v4  }
0x5c: {  	[tilespmem:s30+$0x0] =	vst v6  }
0x5d: {  	[tilespmem:s30+$0x10] =	vst v63  }
0x5e: {  	s7 =	sshll.u32 s29, $0xA;
	[tilespmem:s30+$0x20] =	vst v5  }
.Ltmp7:
0x5f: {  	s31 =	sadd.s32 s4, s7;
	[tilespmem:s30+$0x30] =	vst v61;
	(pc) =	sbr.rel .LBB2_7-.Ltmp7, $4  }
0x60: {  	[hbm4b:s31+s3] =	stream.linear.scatter [tilespmem:s19], [sflag:$0x1], $0x2000, $0x38;
	[tilespmem:$0x5A00] =	vst v63  }
0x61: {  	_ =	swait.ge [sflag:s20], $0x2000  }
0x62: {  	[sflag:s20] =	ssyncset.done $0x0  }
0x63: {  	[sflag:s20] =	ssyncadd.s32 $0xFFFFE000  }
.LBB2_8:
.Ltmp8:
0x64: {  	(pc) =	sbr.rel @p4 .LBB2_12-.Ltmp8, $1  }
0x65: {  	_ =	sdelay $0x3  }
0x66: {  	s1 =	simm.s32 $0x0  }
0x67: {  	s7 =	simm.s32 $0x1;
	s23 =	simm.s32 $0x3;
	v2 =	vmov s1;
	s1 =	simm.s32 $0x2  }
0x68: {  	v3 =	vmov s7;
	s7 =	simm.s32 $0x7;
	v6 =	vmov s23;
	s23 =	simm.s32 $0x5;
	v4 =	vmov s1  }
0x69: {  	s1 =	simm.s32 $0x4;
	v5 =	vmov s7;
	v3 =	vand.u32 $0x79, v3;
	v8 =	vmov s23  }
0x6a: {  	v6 =	vand.u32 $0x7B, v6;
	v7 =	vmov s1;
	v3 =	vbroadcast v3, $0x0  }
0x6b: {  	s7 =	simm.s32 $0x6;
	v5 =	vand.u32 $0x7F, v5;
	v4 =	vand.u32 $0x7A, v4;
	v6 =	vbroadcast v6, $0x0  }
0x6c: {  	s23 =	rddreg [dreg:$0x4];
	v9 =	vmov s7;
	v5 =	vbroadcast v5, $0x0;
	v3 =	vor.u32 v1, v3  }
0x6d: {  	[tilespmem:s22], [sflag:$0x1] =	stream.strided.gather [hbm4b:s23+s21], $0x800, s17, s21, $0x38;
	v8 =	vand.u32 $0x7D, v8;
	v4 =	vbroadcast v4, $0x0;
	v6 =	vor.u32 v1, v6;
	[tilespmem:$0x5A00] =	vst v63  }
0x6e: {  	v7 =	vand.u32 $0x7C, v7;
	_ =	swait.ge [sflag:s20], $0x800;
	v8 =	vbroadcast v8, $0x0;
	v5 =	vor.u32 v1, v5  }
0x6f: {  	v9 =	vand.u32 $0x7E, v9;
	v7 =	vbroadcast v7, $0x0;
	[sflag:s20] =	ssyncset.done $0x0;
	v4 =	vor.u32 v1, v4  }
0x70: {  	v2 =	vand.u32 $0x78, v2;
	v9 =	vbroadcast v9, $0x0;
	[sflag:s20] =	ssyncadd.s32 $0xFFFFF800;
	v8 =	vor.u32 v1, v8  }
0x71: {  	s7 =	simm.s32 $0x8;
	s23 =	simm.s32 $0x9;
	v2 =	vbroadcast v2, $0x0;
	v7 =	vor.u32 v1, v7;
	v3 =	vld.idx.msk [tilespmem:v3+s22+$0x0], $0xffff  }
0x72: {  	s1 =	simm.s32 $0xB;
	v10 =	vmov s7;
	v11 =	vmov s23;
	s7 =	simm.s32 $0xA;
	s23 =	simm.s32 $0xF;
	v9 =	vor.u32 v1, v9;
	v16 =	vld.idx.msk [tilespmem:v6+s22+$0x0], $0xffff  }
0x73: {  	v14 =	vmov s1;
	v12 =	vmov s7;
	v13 =	vmov s23;
	s23 =	simm.s32 $0xC;
	v5 =	vld.idx.msk [tilespmem:v5+s22+$0x0], $0xffff  }
0x74: {  	v2 =	vor.u32 v1, v2;
	v13 =	vand.u32 $0x7F, v13;
	v15 =	vmov s23;
	v4 =	vld.idx.msk [tilespmem:v4+s22+$0x0], $0xffff  }
0x75: {  	v12 =	vand.u32 $0x7A, v12;
	v6 =	vand.u32 $0x79, v11;
	v11 =	vbroadcast v13, $0x0;
	v17 =	vld.idx.msk [tilespmem:v8+s22+$0x0], $0xffff  }
0x76: {  	s28 =	simm.s32 $0x4840;
	s23 =	simm.s32 $0xD;
	v6 =	vbroadcast v6, $0x0;
	v8 =	vbroadcast v12, $0x0;
	v12 =	vand.u32 $0x7B, v14;
	v7 =	vld.idx.msk [tilespmem:v7+s22+$0x0], $0xffff  }
0x77: {  	v13 =	vmov s23;
	v11 =	vor.u32 v1, v11;
	v14 =	vld.idx.msk [tilespmem:v9+s22+$0x0], $0xffff;
	v9 =	vbroadcast v12, $0x0;
	[tilespmem:s28+$0xFFFFFFD0] =	vst v3  }
0x78: {  	s7 =	simm.s32 $0xE;
	v18 =	vor.u32 v1, v6;
	v6 =	vor.u32 v1, v8;
	v3 =	vand.u32 $0x7C, v15;
	[tilespmem:s28+$0x30] =	vst v5  }
0x79: {  	v8 =	vand.u32 $0x7D, v13;
	v5 =	vmov s7;
	[tilespmem:s28+$0xFFFFFFE0] =	vst v4;
	v3 =	vbroadcast v3, $0x0;
	v4 =	vld.idx.msk [tilespmem:v2+s22+$0x0], $0xffff  }
0x7a: {  	v13 =	vbroadcast v8, $0x0;
	v8 =	vor.u32 v1, v9;
	[tilespmem:s28+$0xFFFFFFF0] =	vst v16;
	v5 =	vand.u32 $0x7E, v5  }
0x7b: {  	v2 =	vand.u32 $0x78, v10;
	[tilespmem:s28+$0x10] =	vst v17;
	v10 =	vbroadcast v5, $0x0;
	v9 =	vor.u32 v1, v3  }
0x7c: {  	s29 =	simm.s32 $0x10;
	s23 =	simm.s32 $0x11;
	[tilespmem:s28+$0x0] =	vst v7;
	v12 =	vbroadcast v2, $0x0;
	v7 =	vor.u32 v1, v13;
	v3 =	vld.idx.msk [tilespmem:v11+s22+$0x0], $0xffff  }
0x7d: {  	s31 =	simm.s32 $0x17;
	s30 =	simm.s32 $0x18;
	s1 =	simm.s32 $0x12;
	v2 =	vmov s29;
	[tilespmem:s28+$0x20] =	vst v14;
	v11 =	vmov s23;
	v5 =	vld.idx.msk [tilespmem:v18+s22+$0x0], $0xffff;
	v10 =	vor.u32 v1, v10  }
.LBB2_10:
0x7e: {  	p5 =	slt.u32 s30, $0x78;
	v13 =	vmov s1;
	s1 =	sadd.s32 $0x3, s29;
	s7 =	sadd.s32 $0x4, s29;
	v14 =	vmov s31;
	v12 =	vor.u32 v1, v12;
	v15 =	vld.idx.msk [tilespmem:v6+s22+$0x0], $0xffff;
	[tilespmem:s28+$0xFFFFFFC0] =	vst v4  }
0x7f: {  	v4 =	vmov s1;
	v6 =	vmov s7;
	s1 =	sadd.s32 $0x5, s29;
	v14 =	vand.u32 $0x7F, v14;
	v16 =	vld.idx.msk [tilespmem:v8+s22+$0x0], $0xffff  }
0x80: {  	v8 =	vand.u32 $0x79, v11;
	v11 =	vmov s1;
	s1 =	sadd.s32 $0x6, s29;
	v14 =	vbroadcast v14, $0x0;
	v17 =	vld.idx.msk [tilespmem:v9+s22+$0x0], $0xffff;
	s29 =	smov.u32 s30  }
0x81: {  	s28 =	sadd.s32 $0x80, s28;
	v8 =	vbroadcast v8, $0x0;
	v9 =	vand.u32 $0x7A, v13;
	v13 =	vmov s1;
	v18 =	vld.idx.msk [tilespmem:v7+s22+$0x0], $0xffff  }
0x82: {  	v4 =	vand.u32 $0x7B, v4;
	v7 =	vbroadcast v9, $0x0;
	v14 =	vor.u32 v1, v14;
	v19 =	vld.idx.msk [tilespmem:v10+s22+$0x0], $0xffff;
	[tilespmem:s28+$0x30] =	vst v3  }
0x83: {  	v10 =	vor.u32 v1, v8;
	v3 =	vbroadcast v4, $0x0;
	v8 =	vand.u32 $0x7C, v6;
	v4 =	vld.idx.msk [tilespmem:v12+s22+$0x0], $0xffff;
	[tilespmem:s28+$0xFFFFFFD0] =	vst v5  }
.Ltmp9:
0x84: {  	v6 =	vor.u32 v1, v7;
	v5 =	vbroadcast v8, $0x0;
	v7 =	vand.u32 $0x7D, v11;
	[tilespmem:s28+$0xFFFFFFE0] =	vst v15;
	(pc) =	sbr.rel @p5 .LBB2_10-.Ltmp9, $4  }
0x85: {  	v8 =	vor.u32 v1, v3;
	v3 =	vbroadcast v7, $0x0;
	v7 =	vand.u32 $0x7E, v13;
	[tilespmem:s28+$0xFFFFFFF0] =	vst v16  }
0x86: {  	v2 =	vand.u32 $0x78, v2;
	v9 =	vor.u32 v1, v5;
	v13 =	vbroadcast v7, $0x0;
	[tilespmem:s28+$0x0] =	vst v17  }
0x87: {  	s1 =	sadd.s32 $0x1, s30;
	v12 =	vbroadcast v2, $0x0;
	v7 =	vor.u32 v1, v3;
	v3 =	vld.idx.msk [tilespmem:v14+s22+$0x0], $0xffff;
	[tilespmem:s28+$0x10] =	vst v18  }
0x88: {  	s31 =	sadd.s32 $0x7, s29;
	s30 =	sadd.s32 $0x8, s30;
	v2 =	vmov s29;
	v11 =	vmov s1;
	s1 =	sadd.s32 $0x2, s29;
	v5 =	vld.idx.msk [tilespmem:v10+s22+$0x0], $0xffff;
	v10 =	vor.u32 v1, v13;
	[tilespmem:s28+$0x20] =	vst v19  }
0x89: {  	_ = 	snop  }
0x8a: {  	v13 =	vmov s1;
	s30 =	sadd.s32 $0x3, s29;
	v14 =	vmov s31;
	v12 =	vor.u32 v1, v12  }
0x8b: {  	s7 =	sadd.s32 $0x4, s29;
	v11 =	vand.u32 $0x79, v11;
	v2 =	vand.u32 $0x78, v2;
	v15 =	vmov s30  }
0x8c: {  	s23 =	sadd.s32 $0x5, s29;
	v16 =	vmov s7;
	v14 =	vand.u32 $0x7F, v14;
	v11 =	vbroadcast v11, $0x0  }
0x8d: {  	s29 =	sadd.s32 $0x6, s29;
	v6 =	vld.idx.msk [tilespmem:v6+s22+$0x0], $0xffff;
	v17 =	vmov s23;
	v13 =	vand.u32 $0x7A, v13;
	v2 =	vbroadcast v2, $0x0  }
0x8e: {  	v8 =	vld.idx.msk [tilespmem:v8+s22+$0x0], $0xffff;
	v18 =	vmov s29;
	v14 =	vbroadcast v14, $0x0;
	v48 =	vor.u32 v1, v11  }
0x8f: {  	[tilespmem:s28+$0xFFFFFFC0] =	vst v4;
	v47 =	vld.idx.msk [tilespmem:v9+s22+$0x0], $0xffff;
	s30 =	sadd.s32 $0x80, s28;
	v13 =	vbroadcast v13, $0x0;
	v15 =	vand.u32 $0x7B, v15;
	v2 =	vor.u32 v1, v2  }
0x90: {  	v7 =	vld.idx.msk [tilespmem:v7+s22+$0x0], $0xffff;
	v50 =	vand.u32 $0x7C, v16;
	v49 =	vbroadcast v15, $0x0;
	[tilespmem:s30+$0x30] =	vst v3;
	v14 =	vor.u32 v1, v14  }
0x91: {  	v10 =	vld.idx.msk [tilespmem:v10+s22+$0x0], $0xffff;
	v52 =	vand.u32 $0x7D, v17;
	v51 =	vbroadcast v50, $0x0;
	v3 =	vor.u32 v1, v13;
	[tilespmem:s30+$0xFFFFFFD0] =	vst v5  }
0x92: {  	v55 =	vand.u32 $0x7E, v18;
	v54 =	vbroadcast v52, $0x0;
	v53 =	vor.u32 v1, v49;
	v12 =	vld.idx.msk [tilespmem:v12+s22+$0x0], $0xffff;
	[tilespmem:s30+$0xFFFFFFE0] =	vst v6  }
0x93: {  	v57 =	vbroadcast v55, $0x0;
	v56 =	vor.u32 v1, v51;
	[tilespmem:s30+$0xFFFFFFF0] =	vst v8;
	v60 =	vld.idx.msk [tilespmem:v48+s22+$0x0], $0xffff  }
0x94: {  	v58 =	vor.u32 v1, v54;
	[tilespmem:s30+$0x0] =	vst v47;
	v2 =	vld.idx.msk [tilespmem:v2+s22+$0x0], $0xffff  }
0x95: {  	v61 =	vor.u32 v1, v57;
	[tilespmem:s30+$0x10] =	vst v7;
	v59 =	vld.idx.msk [tilespmem:v14+s22+$0x0], $0xffff  }
0x96: {  	[tilespmem:s30+$0x20] =	vst v10;
	v3 =	vld.idx.msk [tilespmem:v3+s22+$0x0], $0xffff  }
0x97: {  	s1 =	sadd.s32 $0x80, s30;
	v5 =	vld.idx.msk [tilespmem:v53+s22+$0x0], $0xffff;
	[tilespmem:s30+$0xFFFFFFC0] =	vst v12  }
0x98: {  	v6 =	vld.idx.msk [tilespmem:v56+s22+$0x0], $0xffff;
	[tilespmem:s1+$0xFFFFFFD0] =	vst v60  }
0x99: {  	v62 =	vld.idx.msk [tilespmem:v58+s22+$0x0], $0xffff;
	[tilespmem:s1+$0xFFFFFFC0] =	vst v2  }
0x9a: {  	v63 =	vld.idx.msk [tilespmem:v61+s22+$0x0], $0xffff;
	[tilespmem:s1+$0x30] =	vst v59  }
0x9b: {  	[tilespmem:s1+$0xFFFFFFE0] =	vst v3  }
0x9c: {  	[tilespmem:s1+$0xFFFFFFF0] =	vst v5  }
0x9d: {  	[tilespmem:s1+$0x0] =	vst v6  }
0x9e: {  	[tilespmem:s1+$0x10] =	vst v62  }
0x9f: {  	s31 =	simm.s32 $0x4800;
	[tilespmem:s1+$0x20] =	vst v63  }
0xa0: {  	[hbm4b:s8+s3] =	stream.linear.scatter [tilespmem:s31], [sflag:$0x1], $0x800, $0x38;
	[tilespmem:$0x5A00] =	vst v63  }
0xa1: {  	_ =	swait.ge [sflag:s20], $0x800  }
0xa2: {  	[sflag:s20] =	ssyncset.done $0x0  }
0xa3: {  	[sflag:s20] =	ssyncadd.s32 $0xFFFFF800  }
.LBB2_12:
.Ltmp10:
0xa4: {  	(pc) =	sbr.rel @!p0 .LBB2_23-.Ltmp10, $1  }
0xa5: {  	_ =	sdelay $0x3  }
.Ltmp11:
0xa6: {  	(pc) =	sbr.rel .LBB2_14-.Ltmp11, $2  }
0xa7: {  	_ =	sdelay $0x2  }
0xa8: {  	s28 =	simm.s32 $0x0  }
.LBB2_18:
0xa9: {  	s28 =	sadd.s32 $0x1, s28  }
0xaa: {  	p5 =	sne.s32 s28, $0xD  }
.Ltmp12:
0xab: {  	_ = 	snop;
	(pc) =	sbr.rel @!p5 .LBB2_19-.Ltmp12, $1  }
0xac: {  	_ =	sdelay $0x3  }
.LBB2_14:
0xad: {  	s1 =	sshll.u32 s28, $0x4  }
0xae: {  	s29 =	sor.u32 s5, s1  }
0xaf: {  	p5 =	sgt.u32 s29, $0xC2  }
.Ltmp13:
0xb0: {  	_ = 	snop;
	(pc) =	sbr.rel @p5 .LBB2_18-.Ltmp13, $1  }
0xb1: {  	_ =	sdelay $0x3  }
0xb2: {  	s1 =	simm.s32 $0x0  }
0xb3: {  	s7 =	simm.s32 $0x1;
	s23 =	simm.s32 $0x2;
	s30 =	simm.s32 $0x3;
	v2 =	vmov s1  }
0xb4: {  	v4 =	vmov s7;
	v5 =	vmov s23;
	v6 =	vmov s30;
	s7 =	simm.s32 $0x4  }
0xb5: {  	s23 =	simm.s32 $0x5;
	s30 =	simm.s32 $0x6;
	v3 =	vand.u32 $0x78, v2;
	v2 =	vshll.u32 v2, $0x3;
	v7 =	vmov s7  }
0xb6: {  	v8 =	vmov s23;
	v9 =	vmov s30;
	v10 =	vand.u32 $0x79, v4  }
0xb7: {  	v11 =	vand.u32 $0x7A, v5;
	v12 =	vand.u32 $0x7B, v6;
	v4 =	vshll.u32 v4, $0x3  }
0xb8: {  	s23 =	simm.s32 $0x7;
	v5 =	vshll.u32 v5, $0x3;
	v6 =	vshll.u32 v6, $0x3;
	v13 =	vand.u32 $0x7C, v7  }
0xb9: {  	v14 =	vand.u32 $0x7D, v8;
	v15 =	vand.u32 $0x7E, v9;
	v16 =	vmov s23  }
0xba: {  	v7 =	vshll.u32 v7, $0x3;
	v8 =	vshll.u32 v8, $0x3;
	v4 =	vand.u32 $0xC00, v4  }
0xbb: {  	v9 =	vshll.u32 v9, $0x3;
	v5 =	vand.u32 $0xC00, v5;
	v17 =	vshll.u32 v16, $0x3  }
0xbc: {  	s23 =	sshll.u32 s29, $0x9;
	v16 =	vand.u32 $0x7F, v16;
	v4 =	vor.u32 v4, v10;
	v17 =	vand.u32 $0xC00, v17  }
0xbd: {  	v6 =	vand.u32 $0xC00, v6;
	s7 =	sadd.s32 s2, s23;
	v4 =	vor.u32 v0, v4;
	v16 =	vor.u32 v17, v16  }
0xbe: {  	v2 =	vand.u32 $0xC00, v2;
	v5 =	vor.u32 v5, v11;
	[tilespmem:s1], [sflag:$0x2] =	stream.strided.gather [hbm4b:s7+s16], $0x2000, s17, s16, $0x38;
	v10 =	vor.u32 v0, v16;
	[tilespmem:$0x5A00] =	vst v63  }
0xbf: {  	v6 =	vor.u32 v6, v12;
	v7 =	vand.u32 $0xC00, v7;
	v5 =	vor.u32 v0, v5;
	_ =	swait.ge [sflag:s18], $0x2000  }
0xc0: {  	v11 =	vor.u32 v0, v6;
	v6 =	vor.u32 v7, v13;
	v7 =	vand.u32 $0xC00, v8;
	[sflag:s18] =	ssyncset.done $0x0  }
0xc1: {  	v8 =	vor.u32 v0, v6;
	v6 =	vor.u32 v7, v14;
	v7 =	vand.u32 $0xC00, v9;
	[sflag:s18] =	ssyncadd.s32 $0xFFFFE000  }
0xc2: {  	s23 =	simm.s32 $0x8;
	s1 =	simm.s32 $0x9;
	v9 =	vor.u32 v2, v3;
	v12 =	vor.u32 v0, v6;
	v6 =	vor.u32 v7, v15;
	v4 =	vld.idx.msk [tilespmem:v4+s3+$0x0], $0xffff  }
0xc3: {  	v19 =	vmov s1;
	v7 =	vmov s23;
	v24 =	vor.u32 v0, v6;
	v23 =	vld.idx.msk [tilespmem:v10+s3+$0x0], $0xffff  }
0xc4: {  	s7 =	simm.s32 $0xA;
	s1 =	simm.s32 $0xC;
	v2 =	vand.u32 $0x78, v7;
	v3 =	vshll.u32 v7, $0x3;
	v7 =	vor.u32 v0, v9;
	v6 =	vld.idx.msk [tilespmem:v5+s3+$0x0], $0xffff  }
0xc5: {  	v20 =	vmov s7;
	s7 =	simm.s32 $0xD;
	s23 =	simm.s32 $0xB;
	v22 =	vmov s1;
	v9 =	vld.idx.msk [tilespmem:v11+s3+$0x0], $0xffff  }
0xc6: {  	v21 =	vmov s7;
	v18 =	vand.u32 $0x79, v19;
	v16 =	vmov s23;
	s23 =	simm.s32 $0xE;
	v8 =	vld.idx.msk [tilespmem:v8+s3+$0x0], $0xffff  }
0xc7: {  	s30 =	simm.s32 $0x2040;
	v15 =	vand.u32 $0x7A, v20;
	v13 =	vand.u32 $0x7C, v22;
	v17 =	vmov s23;
	v10 =	vld.idx.msk [tilespmem:v12+s3+$0x0], $0xffff  }
0xc8: {  	s31 =	simm.s32 $0x10;
	s1 =	simm.s32 $0xF;
	v14 =	vand.u32 $0x7B, v16;
	v11 =	vand.u32 $0x7D, v21;
	v5 =	vand.u32 $0x7E, v17;
	v12 =	vld.idx.msk [tilespmem:v24+s3+$0x0], $0xffff;
	[tilespmem:s30+$0x30] =	vst v23  }
.LBB2_16:
0xc9: {  	p5 =	slt.u32 s31, $0x1F8;
	v19 =	vshll.u32 v19, $0x3;
	v20 =	vshll.u32 v20, $0x3;
	v23 =	vmov s1;
	v7 =	vld.idx.msk [tilespmem:v7+s3+$0x0], $0xffff;
	[tilespmem:s30+$0xFFFFFFD0] =	vst v4  }
0xca: {  	v4 =	vshll.u32 v16, $0x3;
	v16 =	vshll.u32 v22, $0x3;
	v22 =	vshll.u32 v23, $0x3;
	[tilespmem:s30+$0xFFFFFFE0] =	vst v6  }
0xcb: {  	v6 =	vshll.u32 v21, $0x3;
	v21 =	vand.u32 $0x7F, v23;
	v22 =	vand.u32 $0xC00, v22;
	[tilespmem:s30+$0xFFFFFFF0] =	vst v9  }
0xcc: {  	v17 =	vshll.u32 v17, $0x3;
	v9 =	vand.u32 $0xC00, v19;
	v19 =	vor.u32 v22, v21;
	[tilespmem:s30+$0x0] =	vst v8  }
0xcd: {  	v8 =	vor.u32 v9, v18;
	v9 =	vand.u32 $0xC00, v20;
	v18 =	vor.u32 v0, v19;
	[tilespmem:s30+$0x10] =	vst v10  }
0xce: {  	v4 =	vand.u32 $0xC00, v4;
	v8 =	vor.u32 v0, v8;
	v9 =	vor.u32 v9, v15;
	[tilespmem:s30+$0x20] =	vst v12  }
0xcf: {  	v4 =	vor.u32 v4, v14;
	v10 =	vand.u32 $0xC00, v16;
	v9 =	vor.u32 v0, v9;
	[tilespmem:s30+$0xFFFFFFC0] =	vst v7  }
0xd0: {  	v6 =	vand.u32 $0xC00, v6;
	v12 =	vor.u32 v0, v4;
	v4 =	vor.u32 v10, v13  }
0xd1: {  	v10 =	vor.u32 v0, v4;
	v4 =	vor.u32 v6, v11;
	v6 =	vand.u32 $0xC00, v17  }
0xd2: {  	v3 =	vand.u32 $0xC00, v3;
	v11 =	vor.u32 v0, v4;
	v5 =	vor.u32 v6, v5;
	v23 =	vld.idx.msk [tilespmem:v18+s3+$0x0], $0xffff  }
0xd3: {  	s1 =	sadd.s32 $0x1, s31;
	v7 =	vor.u32 v3, v2;
	v6 =	vmov s31;
	v24 =	vor.u32 v0, v5;
	v4 =	vld.idx.msk [tilespmem:v8+s3+$0x0], $0xffff  }
.Ltmp14:
0xd4: {  	s7 =	sadd.s32 $0x2, s31;
	s23 =	sadd.s32 $0x3, s31;
	v7 =	vor.u32 v0, v7;
	v2 =	vand.u32 $0x78, v6;
	v3 =	vshll.u32 v6, $0x3;
	v6 =	vld.idx.msk [tilespmem:v9+s3+$0x0], $0xffff;
	(pc) =	sbr.rel @p5 .LBB2_16-.Ltmp14, $4  }
0xd5: {  	v20 =	vmov s7;
	s7 =	sadd.s32 $0x5, s31;
	v19 =	vmov s1;
	v16 =	vmov s23;
	s1 =	sadd.s32 $0x4, s31;
	s23 =	sadd.s32 $0x6, s31;
	v9 =	vld.idx.msk [tilespmem:v12+s3+$0x0], $0xffff  }
0xd6: {  	v21 =	vmov s7;
	v22 =	vmov s1;
	v17 =	vmov s23;
	v8 =	vld.idx.msk [tilespmem:v10+s3+$0x0], $0xffff  }
0xd7: {  	v15 =	vand.u32 $0x7A, v20;
	v14 =	vand.u32 $0x7B, v16;
	s30 =	sadd.s32 $0x80, s30;
	v18 =	vand.u32 $0x79, v19;
	v10 =	vld.idx.msk [tilespmem:v11+s3+$0x0], $0xffff  }
0xd8: {  	s1 =	sadd.s32 $0x7, s31;
	v13 =	vand.u32 $0x7C, v22;
	s31 =	sadd.s32 $0x8, s31;
	v5 =	vand.u32 $0x7E, v17;
	v11 =	vand.u32 $0x7D, v21;
	v12 =	vld.idx.msk [tilespmem:v24+s3+$0x0], $0xffff;
	[tilespmem:s30+$0x30] =	vst v23  }
0xd9: {  	v23 =	vmov s1;
	v19 =	vshll.u32 v19, $0x3;
	v20 =	vshll.u32 v20, $0x3  }
0xda: {  	v16 =	vshll.u32 v16, $0x3;
	v22 =	vshll.u32 v22, $0x3;
	v21 =	vshll.u32 v21, $0x3  }
0xdb: {  	v17 =	vshll.u32 v17, $0x3;
	v3 =	vand.u32 $0xC00, v3;
	v24 =	vshll.u32 v23, $0x3  }
0xdc: {  	v23 =	vand.u32 $0x7F, v23;
	v19 =	vand.u32 $0xC00, v19;
	v2 =	vor.u32 v3, v2  }
0xdd: {  	v53 =	vand.u32 $0xC00, v20;
	v18 =	vor.u32 v19, v18;
	v2 =	vor.u32 v0, v2  }
0xde: {  	v16 =	vand.u32 $0xC00, v16;
	v15 =	vor.u32 v53, v15;
	v18 =	vor.u32 v0, v18  }
0xdf: {  	v55 =	vand.u32 $0xC00, v22;
	v14 =	vor.u32 v16, v14;
	v15 =	vor.u32 v0, v15  }
0xe0: {  	[tilespmem:s30+$0xFFFFFFD0] =	vst v4;
	v57 =	vand.u32 $0xC00, v21;
	v13 =	vor.u32 v55, v13;
	v56 =	vor.u32 v0, v14  }
0xe1: {  	v7 =	vld.idx.msk [tilespmem:v7+s3+$0x0], $0xffff;
	[tilespmem:s30+$0xFFFFFFE0] =	vst v6;
	v59 =	vand.u32 $0xC00, v17;
	v11 =	vor.u32 v57, v11;
	v58 =	vor.u32 v0, v13  }
0xe2: {  	[tilespmem:s30+$0xFFFFFFF0] =	vst v9;
	v24 =	vand.u32 $0xC00, v24;
	v5 =	vor.u32 v59, v5;
	v60 =	vor.u32 v0, v11;
	v2 =	vld.idx.msk [tilespmem:v2+s3+$0x0], $0xffff  }
0xe3: {  	[tilespmem:s30+$0x0] =	vst v8;
	v23 =	vor.u32 v24, v23;
	v5 =	vor.u32 v0, v5;
	v3 =	vld.idx.msk [tilespmem:v18+s3+$0x0], $0xffff  }
0xe4: {  	[tilespmem:s30+$0x10] =	vst v10;
	v54 =	vor.u32 v0, v23;
	v62 =	vld.idx.msk [tilespmem:v15+s3+$0x0], $0xffff  }
0xe5: {  	[tilespmem:s30+$0x20] =	vst v12;
	v4 =	vld.idx.msk [tilespmem:v56+s3+$0x0], $0xffff  }
0xe6: {  	[tilespmem:s30+$0xFFFFFFC0] =	vst v7;
	s30 =	sadd.s32 $0x80, s30;
	v6 =	vld.idx.msk [tilespmem:v58+s3+$0x0], $0xffff  }
0xe7: {  	v63 =	vld.idx.msk [tilespmem:v60+s3+$0x0], $0xffff;
	[tilespmem:s30+$0xFFFFFFC0] =	vst v2  }
0xe8: {  	v5 =	vld.idx.msk [tilespmem:v5+s3+$0x0], $0xffff;
	[tilespmem:s30+$0xFFFFFFD0] =	vst v3  }
0xe9: {  	v61 =	vld.idx.msk [tilespmem:v54+s3+$0x0], $0xffff;
	[tilespmem:s30+$0xFFFFFFE0] =	vst v62  }
0xea: {  	[tilespmem:s30+$0xFFFFFFF0] =	vst v4  }
0xeb: {  	[tilespmem:s30+$0x0] =	vst v6  }
0xec: {  	[tilespmem:s30+$0x10] =	vst v63  }
0xed: {  	s7 =	sshll.u32 s29, $0xA;
	[tilespmem:s30+$0x20] =	vst v5  }
.Ltmp15:
0xee: {  	s31 =	sadd.s32 s6, s7;
	[tilespmem:s30+$0x30] =	vst v61;
	(pc) =	sbr.rel .LBB2_18-.Ltmp15, $4  }
0xef: {  	[hbm4b:s31+s3] =	stream.linear.scatter [tilespmem:s19], [sflag:$0x1], $0x2000, $0x38;
	[tilespmem:$0x5A00] =	vst v63  }
0xf0: {  	_ =	swait.ge [sflag:s20], $0x2000  }
0xf1: {  	[sflag:s20] =	ssyncset.done $0x0  }
0xf2: {  	[sflag:s20] =	ssyncadd.s32 $0xFFFFE000  }
.LBB2_19:
.Ltmp16:
0xf3: {  	(pc) =	sbr.rel @p4 .LBB2_23-.Ltmp16, $1  }
0xf4: {  	_ =	sdelay $0x3  }
0xf5: {  	s1 =	simm.s32 $0x0  }
0xf6: {  	s7 =	simm.s32 $0x1;
	s23 =	simm.s32 $0x3;
	v2 =	vmov s1;
	s1 =	simm.s32 $0x2  }
0xf7: {  	v3 =	vmov s7;
	s7 =	simm.s32 $0x7;
	v6 =	vmov s23;
	v4 =	vmov s1  }
0xf8: {  	s23 =	simm.s32 $0x6;
	s1 =	simm.s32 $0x4;
	v5 =	vmov s7;
	v3 =	vand.u32 $0x79, v3;
	v6 =	vand.u32 $0x7B, v6  }
0xf9: {  	s7 =	simm.s32 $0x5;
	v9 =	vmov s23;
	v7 =	vmov s1;
	v3 =	vbroadcast v3, $0x0  }
0xfa: {  	v5 =	vand.u32 $0x7F, v5;
	v8 =	vmov s7;
	v6 =	vbroadcast v6, $0x0  }
0xfb: {  	v4 =	vand.u32 $0x7A, v4;
	v5 =	vbroadcast v5, $0x0;
	v3 =	vor.u32 v1, v3  }
0xfc: {  	[tilespmem:s22], [sflag:$0x1] =	stream.strided.gather [hbm4b:s9+s21], $0x800, s17, s21, $0x38;
	v4 =	vbroadcast v4, $0x0;
	v7 =	vand.u32 $0x7C, v7;
	v6 =	vor.u32 v1, v6;
	[tilespmem:$0x5A00] =	vst v63  }
0xfd: {  	_ =	swait.ge [sflag:s20], $0x800;
	v8 =	vand.u32 $0x7D, v8;
	v7 =	vbroadcast v7, $0x0;
	v5 =	vor.u32 v1, v5  }
0xfe: {  	[sflag:s20] =	ssyncset.done $0x0;
	v2 =	vand.u32 $0x78, v2;
	v8 =	vbroadcast v8, $0x0;
	v4 =	vor.u32 v1, v4  }
0xff: {  	s23 =	simm.s32 $0x9;
	v9 =	vand.u32 $0x7E, v9;
	[sflag:s20] =	ssyncadd.s32 $0xFFFFF800;
	v2 =	vbroadcast v2, $0x0;
	v7 =	vor.u32 v1, v7  }
0x100: {  	s7 =	simm.s32 $0x8;
	v11 =	vmov s23;
	s23 =	simm.s32 $0xF;
	v9 =	vbroadcast v9, $0x0;
	v8 =	vor.u32 v1, v8;
	v3 =	vld.idx.msk [tilespmem:v3+s22+$0x0], $0xffff  }
0x101: {  	v10 =	vmov s7;
	s7 =	simm.s32 $0xA;
	v13 =	vmov s23;
	v16 =	vld.idx.msk [tilespmem:v6+s22+$0x0], $0xffff  }
0x102: {  	s23 =	simm.s32 $0xC;
	v12 =	vmov s7;
	v2 =	vor.u32 v1, v2;
	v9 =	vor.u32 v1, v9;
	v5 =	vld.idx.msk [tilespmem:v5+s22+$0x0], $0xffff  }
0x103: {  	v13 =	vand.u32 $0x7F, v13;
	v15 =	vmov s23;
	v6 =	vand.u32 $0x79, v11;
	v4 =	vld.idx.msk [tilespmem:v4+s22+$0x0], $0xffff  }
0x104: {  	s1 =	simm.s32 $0xB;
	s23 =	simm.s32 $0xD;
	v12 =	vand.u32 $0x7A, v12;
	v11 =	vbroadcast v13, $0x0;
	v6 =	vbroadcast v6, $0x0;
	v7 =	vld.idx.msk [tilespmem:v7+s22+$0x0], $0xffff  }
0x105: {  	s28 =	simm.s32 $0x4840;
	v14 =	vmov s1;
	v13 =	vmov s23;
	v17 =	vld.idx.msk [tilespmem:v8+s22+$0x0], $0xffff;
	v8 =	vbroadcast v12, $0x0  }
0x106: {  	v12 =	vand.u32 $0x7B, v14;
	v11 =	vor.u32 v1, v11;
	v18 =	vor.u32 v1, v6;
	[tilespmem:s28+$0xFFFFFFD0] =	vst v3  }
0x107: {  	s7 =	simm.s32 $0xE;
	v14 =	vld.idx.msk [tilespmem:v9+s22+$0x0], $0xffff;
	v9 =	vbroadcast v12, $0x0;
	v6 =	vor.u32 v1, v8;
	v3 =	vand.u32 $0x7C, v15;
	[tilespmem:s28+$0x30] =	vst v5  }
0x108: {  	v8 =	vand.u32 $0x7D, v13;
	v5 =	vmov s7;
	[tilespmem:s28+$0xFFFFFFE0] =	vst v4;
	v3 =	vbroadcast v3, $0x0;
	v4 =	vld.idx.msk [tilespmem:v2+s22+$0x0], $0xffff  }
0x109: {  	v13 =	vbroadcast v8, $0x0;
	[tilespmem:s28+$0xFFFFFFF0] =	vst v16;
	v8 =	vor.u32 v1, v9;
	v5 =	vand.u32 $0x7E, v5  }
0x10a: {  	v2 =	vand.u32 $0x78, v10;
	[tilespmem:s28+$0x0] =	vst v7;
	v10 =	vbroadcast v5, $0x0;
	v9 =	vor.u32 v1, v3  }
0x10b: {  	s29 =	simm.s32 $0x10;
	s23 =	simm.s32 $0x11;
	v12 =	vbroadcast v2, $0x0;
	v7 =	vor.u32 v1, v13;
	[tilespmem:s28+$0x10] =	vst v17;
	v3 =	vld.idx.msk [tilespmem:v11+s22+$0x0], $0xffff  }
0x10c: {  	s31 =	simm.s32 $0x17;
	s30 =	simm.s32 $0x18;
	s1 =	simm.s32 $0x12;
	v2 =	vmov s29;
	[tilespmem:s28+$0x20] =	vst v14;
	v11 =	vmov s23;
	v5 =	vld.idx.msk [tilespmem:v18+s22+$0x0], $0xffff;
	v10 =	vor.u32 v1, v10  }
.LBB2_21:
0x10d: {  	p5 =	slt.u32 s30, $0x78;
	v13 =	vmov s1;
	s1 =	sadd.s32 $0x3, s29;
	s7 =	sadd.s32 $0x4, s29;
	v14 =	vmov s31;
	v12 =	vor.u32 v1, v12;
	v15 =	vld.idx.msk [tilespmem:v6+s22+$0x0], $0xffff;
	[tilespmem:s28+$0xFFFFFFC0] =	vst v4  }
0x10e: {  	v4 =	vmov s1;
	v6 =	vmov s7;
	s1 =	sadd.s32 $0x5, s29;
	v14 =	vand.u32 $0x7F, v14;
	v16 =	vld.idx.msk [tilespmem:v8+s22+$0x0], $0xffff  }
0x10f: {  	v8 =	vand.u32 $0x79, v11;
	v11 =	vmov s1;
	s1 =	sadd.s32 $0x6, s29;
	v14 =	vbroadcast v14, $0x0;
	v17 =	vld.idx.msk [tilespmem:v9+s22+$0x0], $0xffff;
	s29 =	smov.u32 s30  }
0x110: {  	s28 =	sadd.s32 $0x80, s28;
	v8 =	vbroadcast v8, $0x0;
	v9 =	vand.u32 $0x7A, v13;
	v13 =	vmov s1;
	v18 =	vld.idx.msk [tilespmem:v7+s22+$0x0], $0xffff  }
0x111: {  	v4 =	vand.u32 $0x7B, v4;
	v7 =	vbroadcast v9, $0x0;
	v14 =	vor.u32 v1, v14;
	v19 =	vld.idx.msk [tilespmem:v10+s22+$0x0], $0xffff;
	[tilespmem:s28+$0x30] =	vst v3  }
0x112: {  	v10 =	vor.u32 v1, v8;
	v3 =	vbroadcast v4, $0x0;
	v8 =	vand.u32 $0x7C, v6;
	v4 =	vld.idx.msk [tilespmem:v12+s22+$0x0], $0xffff;
	[tilespmem:s28+$0xFFFFFFD0] =	vst v5  }
.Ltmp17:
0x113: {  	v6 =	vor.u32 v1, v7;
	v5 =	vbroadcast v8, $0x0;
	v7 =	vand.u32 $0x7D, v11;
	[tilespmem:s28+$0xFFFFFFE0] =	vst v15;
	(pc) =	sbr.rel @p5 .LBB2_21-.Ltmp17, $4  }
0x114: {  	v8 =	vor.u32 v1, v3;
	v3 =	vbroadcast v7, $0x0;
	v7 =	vand.u32 $0x7E, v13;
	[tilespmem:s28+$0xFFFFFFF0] =	vst v16  }
0x115: {  	v2 =	vand.u32 $0x78, v2;
	v9 =	vor.u32 v1, v5;
	v13 =	vbroadcast v7, $0x0;
	[tilespmem:s28+$0x0] =	vst v17  }
0x116: {  	s1 =	sadd.s32 $0x1, s30;
	v12 =	vbroadcast v2, $0x0;
	v7 =	vor.u32 v1, v3;
	v3 =	vld.idx.msk [tilespmem:v14+s22+$0x0], $0xffff;
	[tilespmem:s28+$0x10] =	vst v18  }
0x117: {  	s31 =	sadd.s32 $0x7, s29;
	s30 =	sadd.s32 $0x8, s30;
	v2 =	vmov s29;
	v11 =	vmov s1;
	s1 =	sadd.s32 $0x2, s29;
	v5 =	vld.idx.msk [tilespmem:v10+s22+$0x0], $0xffff;
	v10 =	vor.u32 v1, v13;
	[tilespmem:s28+$0x20] =	vst v19  }
0x118: {  	_ = 	snop  }
0x119: {  	v13 =	vmov s1;
	s30 =	sadd.s32 $0x3, s29;
	v14 =	vmov s31;
	v12 =	vor.u32 v1, v12  }
0x11a: {  	s7 =	sadd.s32 $0x4, s29;
	v11 =	vand.u32 $0x79, v11;
	v2 =	vand.u32 $0x78, v2;
	v15 =	vmov s30  }
0x11b: {  	s23 =	sadd.s32 $0x5, s29;
	v16 =	vmov s7;
	v14 =	vand.u32 $0x7F, v14;
	v11 =	vbroadcast v11, $0x0  }
0x11c: {  	s29 =	sadd.s32 $0x6, s29;
	v6 =	vld.idx.msk [tilespmem:v6+s22+$0x0], $0xffff;
	v17 =	vmov s23;
	v13 =	vand.u32 $0x7A, v13;
	v2 =	vbroadcast v2, $0x0  }
0x11d: {  	v8 =	vld.idx.msk [tilespmem:v8+s22+$0x0], $0xffff;
	v18 =	vmov s29;
	v14 =	vbroadcast v14, $0x0;
	v48 =	vor.u32 v1, v11  }
0x11e: {  	[tilespmem:s28+$0xFFFFFFC0] =	vst v4;
	v47 =	vld.idx.msk [tilespmem:v9+s22+$0x0], $0xffff;
	s30 =	sadd.s32 $0x80, s28;
	v13 =	vbroadcast v13, $0x0;
	v15 =	vand.u32 $0x7B, v15;
	v2 =	vor.u32 v1, v2  }
0x11f: {  	v7 =	vld.idx.msk [tilespmem:v7+s22+$0x0], $0xffff;
	v50 =	vand.u32 $0x7C, v16;
	v49 =	vbroadcast v15, $0x0;
	[tilespmem:s30+$0x30] =	vst v3;
	v14 =	vor.u32 v1, v14  }
0x120: {  	v10 =	vld.idx.msk [tilespmem:v10+s22+$0x0], $0xffff;
	v52 =	vand.u32 $0x7D, v17;
	v51 =	vbroadcast v50, $0x0;
	v3 =	vor.u32 v1, v13;
	[tilespmem:s30+$0xFFFFFFD0] =	vst v5  }
0x121: {  	v55 =	vand.u32 $0x7E, v18;
	v54 =	vbroadcast v52, $0x0;
	v53 =	vor.u32 v1, v49;
	v12 =	vld.idx.msk [tilespmem:v12+s22+$0x0], $0xffff;
	[tilespmem:s30+$0xFFFFFFE0] =	vst v6  }
0x122: {  	v57 =	vbroadcast v55, $0x0;
	v56 =	vor.u32 v1, v51;
	[tilespmem:s30+$0xFFFFFFF0] =	vst v8;
	v60 =	vld.idx.msk [tilespmem:v48+s22+$0x0], $0xffff  }
0x123: {  	v58 =	vor.u32 v1, v54;
	[tilespmem:s30+$0x0] =	vst v47;
	v2 =	vld.idx.msk [tilespmem:v2+s22+$0x0], $0xffff  }
0x124: {  	v61 =	vor.u32 v1, v57;
	[tilespmem:s30+$0x10] =	vst v7;
	v59 =	vld.idx.msk [tilespmem:v14+s22+$0x0], $0xffff  }
0x125: {  	[tilespmem:s30+$0x20] =	vst v10;
	v3 =	vld.idx.msk [tilespmem:v3+s22+$0x0], $0xffff  }
0x126: {  	s1 =	sadd.s32 $0x80, s30;
	v5 =	vld.idx.msk [tilespmem:v53+s22+$0x0], $0xffff;
	[tilespmem:s30+$0xFFFFFFC0] =	vst v12  }
0x127: {  	v6 =	vld.idx.msk [tilespmem:v56+s22+$0x0], $0xffff;
	[tilespmem:s1+$0xFFFFFFD0] =	vst v60  }
0x128: {  	v62 =	vld.idx.msk [tilespmem:v58+s22+$0x0], $0xffff;
	[tilespmem:s1+$0xFFFFFFC0] =	vst v2  }
0x129: {  	v63 =	vld.idx.msk [tilespmem:v61+s22+$0x0], $0xffff;
	[tilespmem:s1+$0x30] =	vst v59  }
0x12a: {  	[tilespmem:s1+$0xFFFFFFE0] =	vst v3  }
0x12b: {  	[tilespmem:s1+$0xFFFFFFF0] =	vst v5  }
0x12c: {  	[tilespmem:s1+$0x0] =	vst v6  }
0x12d: {  	[tilespmem:s1+$0x10] =	vst v62  }
0x12e: {  	s31 =	simm.s32 $0x4800;
	[tilespmem:s1+$0x20] =	vst v63  }
0x12f: {  	[hbm4b:s10+s3] =	stream.linear.scatter [tilespmem:s31], [sflag:$0x1], $0x800, $0x38;
	[tilespmem:$0x5A00] =	vst v63  }
0x130: {  	_ =	swait.ge [sflag:s20], $0x800  }
0x131: {  	[sflag:s20] =	ssyncset.done $0x0  }
0x132: {  	[sflag:s20] =	ssyncadd.s32 $0xFFFFF800  }
.LBB2_23:
.Ltmp18:
0x133: {  	(pc) =	sbr.rel @!p1 .LBB2_27-.Ltmp18, $1  }
0x134: {  	_ =	sdelay $0x3  }
0x135: {  	s1 =	simm.s32 $0x2  }
0x136: {  	s7 =	simm.s32 $0x3;
	s31 =	simm.s32 $0x4;
	s23 =	simm.s32 $0x5;
	v2 =	vmov s1  }
0x137: {  	v3 =	vmov s7;
	v4 =	vmov s31;
	s31 =	simm.s32 $0x7;
	v5 =	vmov s23  }
0x138: {  	s7 =	simm.s32 $0x1;
	v2 =	vand.u32 $0x7A, v2;
	v4 =	vand.u32 $0x7C, v4;
	v6 =	vmov s31  }
0x139: {  	s23 =	simm.s32 $0x0;
	v5 =	vand.u32 $0x7D, v5;
	v3 =	vand.u32 $0x7B, v3;
	v7 =	vmov s7  }
0x13a: {  	v9 =	vmov s23;
	v4 =	vbroadcast v4, $0x0;
	v5 =	vbroadcast v5, $0x0  }
0x13b: {  	s31 =	simm.s32 $0x6;
	v6 =	vand.u32 $0x7F, v6;
	v2 =	vbroadcast v2, $0x0;
	v3 =	vbroadcast v3, $0x0  }
0x13c: {  	s7 =	simm.s32 $0x9;
	s23 =	simm.s32 $0xB;
	v8 =	vmov s31;
	v7 =	vand.u32 $0x79, v7;
	v9 =	vand.u32 $0x78, v9  }
0x13d: {  	[tilespmem:s24], [sflag:$0x1] =	stream.strided.gather [hbm4b:s11+s21], $0x800, s17, s21, $0x38;
	v10 =	vmov s7;
	v12 =	vmov s23;
	v6 =	vbroadcast v6, $0x0;
	[tilespmem:$0x5A00] =	vst v63  }
0x13e: {  	s31 =	simm.s32 $0xA;
	v8 =	vand.u32 $0x7E, v8;
	v9 =	vbroadcast v9, $0x0;
	v2 =	vor.u32 v1, v2  }
0x13f: {  	s23 =	simm.s32 $0xC;
	v7 =	vbroadcast v7, $0x0;
	v11 =	vmov s31;
	v4 =	vor.u32 v1, v4  }
0x140: {  	_ =	swait.ge [sflag:s20], $0x800;
	v13 =	vmov s23;
	v8 =	vbroadcast v8, $0x0;
	v6 =	vor.u32 v1, v6  }
0x141: {  	[sflag:s20] =	ssyncset.done $0x0;
	s31 =	simm.s32 $0xD;
	v3 =	vor.u32 v1, v3;
	v5 =	vor.u32 v1, v5;
	v11 =	vand.u32 $0x7A, v11  }
0x142: {  	[sflag:s20] =	ssyncadd.s32 $0xFFFFF800;
	s7 =	simm.s32 $0xF;
	v14 =	vmov s31;
	v9 =	vor.u32 v1, v9;
	v16 =	vor.u32 v1, v7  }
0x143: {  	v8 =	vor.u32 v1, v8;
	v15 =	vld.idx.msk [tilespmem:v2+s24+$0x0], $0xffff;
	v2 =	vand.u32 $0x7C, v13;
	v13 =	vmov s7  }
0x144: {  	v17 =	vld.idx.msk [tilespmem:v4+s24+$0x0], $0xffff;
	v18 =	vbroadcast v2, $0x0;
	v2 =	vand.u32 $0x7D, v14;
	v4 =	vand.u32 $0x7F, v13  }
0x145: {  	v19 =	vld.idx.msk [tilespmem:v6+s24+$0x0], $0xffff;
	v6 =	vand.u32 $0x7B, v12;
	v20 =	vbroadcast v2, $0x0;
	v2 =	vbroadcast v4, $0x0  }
0x146: {  	s23 =	simm.s32 $0xE;
	s31 =	simm.s32 $0x8;
	v7 =	vld.idx.msk [tilespmem:v3+s24+$0x0], $0xffff;
	v12 =	vand.u32 $0x79, v10;
	v4 =	vbroadcast v11, $0x0;
	v21 =	vbroadcast v6, $0x0  }
0x147: {  	s28 =	simm.s32 $0x5840;
	v11 =	vmov s23;
	v6 =	vld.idx.msk [tilespmem:v5+s24+$0x0], $0xffff;
	v5 =	vmov s31;
	v12 =	vbroadcast v12, $0x0  }
0x148: {  	v3 =	vld.idx.msk [tilespmem:v9+s24+$0x0], $0xffff;
	v5 =	vand.u32 $0x78, v5;
	v9 =	vand.u32 $0x7E, v11;
	v11 =	vor.u32 v1, v18;
	[tilespmem:s28+$0xFFFFFFE0] =	vst v15  }
0x149: {  	v8 =	vld.idx.msk [tilespmem:v8+s24+$0x0], $0xffff;
	v2 =	vor.u32 v1, v2;
	v10 =	vor.u32 v1, v4;
	v14 =	vbroadcast v5, $0x0;
	[tilespmem:s28+$0x0] =	vst v17  }
0x14a: {  	s30 =	simm.s32 $0x10;
	s29 =	simm.s32 $0x58C0;
	v4 =	vld.idx.msk [tilespmem:v16+s24+$0x0], $0xffff;
	v13 =	vbroadcast v9, $0x0;
	v9 =	vor.u32 v1, v21;
	v5 =	vor.u32 v1, v20;
	[tilespmem:s28+$0x30] =	vst v19  }
.LBB2_25:
0x14b: {  	s1 =	sadd.s32 $0x1, s30  }
0x14c: {  	s7 =	sadd.s32 $0x2, s30;
	s23 =	sadd.s32 $0x3, s30;
	v14 =	vor.u32 v1, v14;
	v15 =	vor.u32 v1, v13;
	[tilespmem:s28+$0xFFFFFFF0] =	vst v7;
	s31 =	smov.u32 s30  }
0x14d: {  	v13 =	vmov s1;
	v7 =	vmov s7;
	v16 =	vmov s23;
	s1 =	sadd.s32 $0x4, s30;
	s7 =	sadd.s32 $0x5, s30;
	s23 =	sadd.s32 $0x6, s30;
	[tilespmem:s28+$0x10] =	vst v6  }
0x14e: {  	p5 =	slt.u32 s30, $0x18;
	s30 =	sadd.s32 $0x8, s30;
	v6 =	vand.u32 $0x7A, v7;
	v7 =	vmov s1;
	v17 =	vmov s7;
	s1 =	sadd.s32 $0x7, s31;
	v18 =	vld.idx.msk [tilespmem:v10+s24+$0x0], $0xffff;
	[tilespmem:s28+$0xFFFFFFC0] =	vst v3  }
0x14f: {  	v12 =	vor.u32 v1, v12;
	v3 =	vand.u32 $0x7C, v7;
	v7 =	vmov s1;
	v19 =	vld.idx.msk [tilespmem:v11+s24+$0x0], $0xffff;
	[tilespmem:s28+$0xFFFFFFD0] =	vst v4  }
0x150: {  	v11 =	vbroadcast v3, $0x0;
	v3 =	vand.u32 $0x7D, v17;
	v4 =	vand.u32 $0x7F, v7;
	v17 =	vld.idx.msk [tilespmem:v2+s24+$0x0], $0xffff;
	[tilespmem:s28+$0x20] =	vst v8;
	s28 =	smov.u32 s29  }
0x151: {  	v2 =	vand.u32 $0x7B, v16;
	v16 =	vbroadcast v3, $0x0;
	v3 =	vbroadcast v4, $0x0;
	v7 =	vld.idx.msk [tilespmem:v9+s24+$0x0], $0xffff  }
.Ltmp19:
0x152: {  	v8 =	vmov s23;
	v4 =	vbroadcast v6, $0x0;
	v9 =	vbroadcast v2, $0x0;
	v6 =	vld.idx.msk [tilespmem:v5+s24+$0x0], $0xffff;
	(pc) =	sbr.rel @p5 .LBB2_25-.Ltmp19, $4  }
0x153: {  	v20 =	vand.u32 $0x79, v13;
	v5 =	vmov s31;
	v2 =	vor.u32 v1, v3;
	v3 =	vld.idx.msk [tilespmem:v14+s24+$0x0], $0xffff  }
0x154: {  	v8 =	vand.u32 $0x7E, v8;
	v5 =	vand.u32 $0x78, v5;
	v10 =	vor.u32 v1, v4;
	v4 =	vld.idx.msk [tilespmem:v12+s24+$0x0], $0xffff;
	[tilespmem:s29+$0xFFFFFFE0] =	vst v18  }
0x155: {  	v11 =	vor.u32 v1, v11;
	v13 =	vbroadcast v8, $0x0;
	v14 =	vbroadcast v5, $0x0;
	[tilespmem:s29+$0x0] =	vst v19;
	v8 =	vld.idx.msk [tilespmem:v15+s24+$0x0], $0xffff  }
0x156: {  	v9 =	vor.u32 v1, v9;
	v12 =	vbroadcast v20, $0x0;
	v5 =	vor.u32 v1, v16;
	s29 =	sadd.s32 $0x80, s29;
	[tilespmem:s28+$0x30] =	vst v17  }
0x157: {  	_ =	sdelay $0x3  }
0x158: {  	v14 =	vor.u32 v1, v14;
	[tilespmem:s28+$0xFFFFFFF0] =	vst v7;
	v57 =	vld.idx.msk [tilespmem:v10+s24+$0x0], $0xffff  }
0x159: {  	[tilespmem:s28+$0x10] =	vst v6;
	v59 =	vld.idx.msk [tilespmem:v11+s24+$0x0], $0xffff;
	v60 =	vor.u32 v1, v13  }
0x15a: {  	v2 =	vld.idx.msk [tilespmem:v2+s24+$0x0], $0xffff;
	v58 =	vor.u32 v1, v12;
	[tilespmem:s28+$0xFFFFFFC0] =	vst v3  }
0x15b: {  	v61 =	vld.idx.msk [tilespmem:v5+s24+$0x0], $0xffff;
	[tilespmem:s28+$0xFFFFFFD0] =	vst v4  }
0x15c: {  	v3 =	vld.idx.msk [tilespmem:v9+s24+$0x0], $0xffff;
	[tilespmem:s28+$0x20] =	vst v8  }
0x15d: {  	v62 =	vld.idx.msk [tilespmem:v14+s24+$0x0], $0xffff;
	[tilespmem:s29+$0xFFFFFFE0] =	vst v57  }
0x15e: {  	[tilespmem:s29+$0x0] =	vst v59;
	v63 =	vld.idx.msk [tilespmem:v60+s24+$0x0], $0xffff  }
0x15f: {  	[tilespmem:s29+$0x30] =	vst v2;
	v6 =	vld.idx.msk [tilespmem:v58+s24+$0x0], $0xffff  }
0x160: {  	[tilespmem:s29+$0x10] =	vst v61  }
0x161: {  	[tilespmem:s29+$0xFFFFFFF0] =	vst v3  }
0x162: {  	[tilespmem:s29+$0xFFFFFFC0] =	vst v62  }
0x163: {  	[tilespmem:s29+$0x20] =	vst v63  }
0x164: {  	[tilespmem:s29+$0xFFFFFFD0] =	vst v6  }
0x165: {  	[hbm4b:s12+s3] =	stream.linear.scatter [tilespmem:s25], [sflag:$0x1], $0x200, $0x38;
	[tilespmem:$0x5A00] =	vst v63  }
0x166: {  	_ =	swait.ge [sflag:s20], $0x200  }
0x167: {  	[sflag:s20] =	ssyncset.done $0x0  }
0x168: {  	[sflag:s20] =	ssyncadd.s32 $0xFFFFFE00  }
.LBB2_27:
.Ltmp20:
0x169: {  	(pc) =	sbr.rel @!p2 .LBB2_31-.Ltmp20, $1  }
0x16a: {  	_ =	sdelay $0x3  }
0x16b: {  	s1 =	simm.s32 $0x2  }
0x16c: {  	s7 =	simm.s32 $0x3;
	s31 =	simm.s32 $0x4;
	s23 =	simm.s32 $0x5;
	v2 =	vmov s1  }
0x16d: {  	v3 =	vmov s7;
	v4 =	vmov s31;
	s31 =	simm.s32 $0x7;
	v5 =	vmov s23  }
0x16e: {  	s7 =	simm.s32 $0x1;
	v2 =	vand.u32 $0x7A, v2;
	v4 =	vand.u32 $0x7C, v4;
	v6 =	vmov s31  }
0x16f: {  	s23 =	simm.s32 $0x0;
	v5 =	vand.u32 $0x7D, v5;
	v3 =	vand.u32 $0x7B, v3;
	v7 =	vmov s7  }
0x170: {  	v9 =	vmov s23;
	v4 =	vbroadcast v4, $0x0;
	v5 =	vbroadcast v5, $0x0  }
0x171: {  	s31 =	simm.s32 $0x6;
	v6 =	vand.u32 $0x7F, v6;
	v2 =	vbroadcast v2, $0x0;
	v3 =	vbroadcast v3, $0x0  }
0x172: {  	s7 =	simm.s32 $0x9;
	s23 =	simm.s32 $0xB;
	v8 =	vmov s31;
	v7 =	vand.u32 $0x79, v7;
	v9 =	vand.u32 $0x78, v9  }
0x173: {  	[tilespmem:s24], [sflag:$0x1] =	stream.strided.gather [hbm4b:s13+s21], $0x800, s17, s21, $0x38;
	v10 =	vmov s7;
	v12 =	vmov s23;
	v6 =	vbroadcast v6, $0x0;
	[tilespmem:$0x5A00] =	vst v63  }
0x174: {  	s31 =	simm.s32 $0xA;
	v8 =	vand.u32 $0x7E, v8;
	v9 =	vbroadcast v9, $0x0;
	v2 =	vor.u32 v1, v2  }
0x175: {  	s23 =	simm.s32 $0xC;
	v7 =	vbroadcast v7, $0x0;
	v11 =	vmov s31;
	v4 =	vor.u32 v1, v4  }
0x176: {  	_ =	swait.ge [sflag:s20], $0x800;
	v13 =	vmov s23;
	v8 =	vbroadcast v8, $0x0;
	v6 =	vor.u32 v1, v6  }
0x177: {  	[sflag:s20] =	ssyncset.done $0x0;
	s31 =	simm.s32 $0xD;
	v3 =	vor.u32 v1, v3;
	v5 =	vor.u32 v1, v5;
	v11 =	vand.u32 $0x7A, v11  }
0x178: {  	[sflag:s20] =	ssyncadd.s32 $0xFFFFF800;
	s7 =	simm.s32 $0xF;
	v14 =	vmov s31;
	v9 =	vor.u32 v1, v9;
	v16 =	vor.u32 v1, v7  }
0x179: {  	v8 =	vor.u32 v1, v8;
	v15 =	vld.idx.msk [tilespmem:v2+s24+$0x0], $0xffff;
	v2 =	vand.u32 $0x7C, v13;
	v13 =	vmov s7  }
0x17a: {  	v17 =	vld.idx.msk [tilespmem:v4+s24+$0x0], $0xffff;
	v18 =	vbroadcast v2, $0x0;
	v2 =	vand.u32 $0x7D, v14;
	v4 =	vand.u32 $0x7F, v13  }
0x17b: {  	v19 =	vld.idx.msk [tilespmem:v6+s24+$0x0], $0xffff;
	v6 =	vand.u32 $0x7B, v12;
	v20 =	vbroadcast v2, $0x0;
	v2 =	vbroadcast v4, $0x0  }
0x17c: {  	s23 =	simm.s32 $0xE;
	s31 =	simm.s32 $0x8;
	v7 =	vld.idx.msk [tilespmem:v3+s24+$0x0], $0xffff;
	v12 =	vand.u32 $0x79, v10;
	v4 =	vbroadcast v11, $0x0;
	v21 =	vbroadcast v6, $0x0  }
0x17d: {  	s28 =	simm.s32 $0x5840;
	v11 =	vmov s23;
	v6 =	vld.idx.msk [tilespmem:v5+s24+$0x0], $0xffff;
	v5 =	vmov s31;
	v12 =	vbroadcast v12, $0x0  }
0x17e: {  	v3 =	vld.idx.msk [tilespmem:v9+s24+$0x0], $0xffff;
	v5 =	vand.u32 $0x78, v5;
	v9 =	vand.u32 $0x7E, v11;
	v11 =	vor.u32 v1, v18;
	[tilespmem:s28+$0xFFFFFFE0] =	vst v15  }
0x17f: {  	v8 =	vld.idx.msk [tilespmem:v8+s24+$0x0], $0xffff;
	v2 =	vor.u32 v1, v2;
	v10 =	vor.u32 v1, v4;
	v14 =	vbroadcast v5, $0x0;
	[tilespmem:s28+$0x0] =	vst v17  }
0x180: {  	s30 =	simm.s32 $0x10;
	s29 =	simm.s32 $0x58C0;
	v4 =	vld.idx.msk [tilespmem:v16+s24+$0x0], $0xffff;
	v13 =	vbroadcast v9, $0x0;
	v9 =	vor.u32 v1, v21;
	v5 =	vor.u32 v1, v20;
	[tilespmem:s28+$0x30] =	vst v19  }
.LBB2_29:
0x181: {  	s1 =	sadd.s32 $0x1, s30  }
0x182: {  	s7 =	sadd.s32 $0x2, s30;
	s23 =	sadd.s32 $0x3, s30;
	v14 =	vor.u32 v1, v14;
	v15 =	vor.u32 v1, v13;
	[tilespmem:s28+$0xFFFFFFF0] =	vst v7;
	s31 =	smov.u32 s30  }
0x183: {  	v13 =	vmov s1;
	v7 =	vmov s7;
	v16 =	vmov s23;
	s1 =	sadd.s32 $0x4, s30;
	s7 =	sadd.s32 $0x5, s30;
	s23 =	sadd.s32 $0x6, s30;
	[tilespmem:s28+$0x10] =	vst v6  }
0x184: {  	p5 =	slt.u32 s30, $0x18;
	s30 =	sadd.s32 $0x8, s30;
	v6 =	vand.u32 $0x7A, v7;
	v7 =	vmov s1;
	v17 =	vmov s7;
	s1 =	sadd.s32 $0x7, s31;
	v18 =	vld.idx.msk [tilespmem:v10+s24+$0x0], $0xffff;
	[tilespmem:s28+$0xFFFFFFC0] =	vst v3  }
0x185: {  	v12 =	vor.u32 v1, v12;
	v3 =	vand.u32 $0x7C, v7;
	v7 =	vmov s1;
	v19 =	vld.idx.msk [tilespmem:v11+s24+$0x0], $0xffff;
	[tilespmem:s28+$0xFFFFFFD0] =	vst v4  }
0x186: {  	v11 =	vbroadcast v3, $0x0;
	v3 =	vand.u32 $0x7D, v17;
	v4 =	vand.u32 $0x7F, v7;
	v17 =	vld.idx.msk [tilespmem:v2+s24+$0x0], $0xffff;
	[tilespmem:s28+$0x20] =	vst v8;
	s28 =	smov.u32 s29  }
0x187: {  	v2 =	vand.u32 $0x7B, v16;
	v16 =	vbroadcast v3, $0x0;
	v3 =	vbroadcast v4, $0x0;
	v7 =	vld.idx.msk [tilespmem:v9+s24+$0x0], $0xffff  }
.Ltmp21:
0x188: {  	v8 =	vmov s23;
	v4 =	vbroadcast v6, $0x0;
	v9 =	vbroadcast v2, $0x0;
	v6 =	vld.idx.msk [tilespmem:v5+s24+$0x0], $0xffff;
	(pc) =	sbr.rel @p5 .LBB2_29-.Ltmp21, $4  }
0x189: {  	v20 =	vand.u32 $0x79, v13;
	v5 =	vmov s31;
	v2 =	vor.u32 v1, v3;
	v3 =	vld.idx.msk [tilespmem:v14+s24+$0x0], $0xffff  }
0x18a: {  	v8 =	vand.u32 $0x7E, v8;
	v5 =	vand.u32 $0x78, v5;
	v10 =	vor.u32 v1, v4;
	v4 =	vld.idx.msk [tilespmem:v12+s24+$0x0], $0xffff;
	[tilespmem:s29+$0xFFFFFFE0] =	vst v18  }
0x18b: {  	v11 =	vor.u32 v1, v11;
	v13 =	vbroadcast v8, $0x0;
	v14 =	vbroadcast v5, $0x0;
	[tilespmem:s29+$0x0] =	vst v19;
	v8 =	vld.idx.msk [tilespmem:v15+s24+$0x0], $0xffff  }
0x18c: {  	v9 =	vor.u32 v1, v9;
	v12 =	vbroadcast v20, $0x0;
	v5 =	vor.u32 v1, v16;
	s29 =	sadd.s32 $0x80, s29;
	[tilespmem:s28+$0x30] =	vst v17  }
0x18d: {  	_ =	sdelay $0x3  }
0x18e: {  	v14 =	vor.u32 v1, v14;
	[tilespmem:s28+$0xFFFFFFF0] =	vst v7;
	v57 =	vld.idx.msk [tilespmem:v10+s24+$0x0], $0xffff  }
0x18f: {  	[tilespmem:s28+$0x10] =	vst v6;
	v59 =	vld.idx.msk [tilespmem:v11+s24+$0x0], $0xffff;
	v60 =	vor.u32 v1, v13  }
0x190: {  	v2 =	vld.idx.msk [tilespmem:v2+s24+$0x0], $0xffff;
	v58 =	vor.u32 v1, v12;
	[tilespmem:s28+$0xFFFFFFC0] =	vst v3  }
0x191: {  	v61 =	vld.idx.msk [tilespmem:v5+s24+$0x0], $0xffff;
	[tilespmem:s28+$0xFFFFFFD0] =	vst v4  }
0x192: {  	v3 =	vld.idx.msk [tilespmem:v9+s24+$0x0], $0xffff;
	[tilespmem:s28+$0x20] =	vst v8  }
0x193: {  	v62 =	vld.idx.msk [tilespmem:v14+s24+$0x0], $0xffff;
	[tilespmem:s29+$0xFFFFFFE0] =	vst v57  }
0x194: {  	[tilespmem:s29+$0x0] =	vst v59;
	v63 =	vld.idx.msk [tilespmem:v60+s24+$0x0], $0xffff  }
0x195: {  	[tilespmem:s29+$0x30] =	vst v2;
	v6 =	vld.idx.msk [tilespmem:v58+s24+$0x0], $0xffff  }
0x196: {  	[tilespmem:s29+$0x10] =	vst v61  }
0x197: {  	[tilespmem:s29+$0xFFFFFFF0] =	vst v3  }
0x198: {  	[tilespmem:s29+$0xFFFFFFC0] =	vst v62  }
0x199: {  	[tilespmem:s29+$0x20] =	vst v63  }
.Ltmp22:
0x19a: {  	[tilespmem:s29+$0xFFFFFFD0] =	vst v6;
	(pc) =	sbr.rel .LBB2_31-.Ltmp22, $4  }
0x19b: {  	[hbm4b:s14+s3] =	stream.linear.scatter [tilespmem:s25], [sflag:$0x1], $0x200, $0x38;
	[tilespmem:$0x5A00] =	vst v63  }
0x19c: {  	_ =	swait.ge [sflag:s20], $0x200  }
0x19d: {  	[sflag:s20] =	ssyncset.done $0x0  }
0x19e: {  	[sflag:s20] =	ssyncadd.s32 $0xFFFFFE00  }
.LBB2_32:
0x19f: {  	_ =	sfence.sel $0x180000  }
0x1a0: {  	[bflag:$0x0] =	sbarrier.arrive $0xFFFF  }
0x1a1: {  	_ =	strace $0x90000047  }
0x1a2: {  	[bflag:$0x2] =	sbarrier.arrive $0xFFFF  }
0x1a3: {  	p0 =	sne.s32 s5, $0x0;
	s0 =	rddreg [dreg:$0x3]  }
0x1a4: {  	s0 =	sadd.s32 @!p0 $0x100000, s0  }
0x1a5: {  	[sflag:s0] =	ssyncadd.tile.s32 @!p0 $0x1;
	_ =	shalt  }
.Lfunc_end2:
_tile_overlayer_lowered:
.L_overlay_start_2:
0x1a6: {  	(tag) =	ssettag $0x2  }
0x1a7: {  	s0 =	rddreg [dreg:$0x0];
	s2 =	stileid.u32  }
0x1a8: {  	s1 =	rddreg [dreg:$0x1];
	p0 =	sne.s32 s2, $0x0  }
0x1a9: {  	s3 =	rddreg [dreg:$0x2];
	[bflag:$0x3] =	sbarrier.arrive $0xFFFF;
	s2 =	simm.s32 @!p0 $0x1C01  }
0x1aa: {  	[timem:s3], [sflag:s2] =	dma.local @!p0 [hbm:s0], s1  }
0x1ab: {  	s0 =	simm.s32 @!p0 $0x1  }
0x1ac: {  	_ =	swait.ge @!p0 [sflag:s0], s1  }
0x1ad: {  	s1 =	ssub.s32 @!p0 $0x0, s1;
	[sflag:s0] =	ssyncset.done @!p0 $0x0  }
0x1ae: {  	[sflag:s0] =	ssyncadd.s32 @!p0 s1  }
0x1af: {  	[bflag:$0x3] =	sbarrier.arrive $0xFFFF  }
0x1b0: {  	_ =	shalt  }

// kernel: kernel.7.cloned.1.call-start
scs
__scs_entry_jumppad:
0x0: {  	(pc) =	sbr.rel $0x88, $3  }
0x1: {  	(tag) =	ssettag $0x0;
	lr =	simm.s32 $0x1  }
0x2: {  	[smem:$0x3F9E] =	sst lr;
	_ =	strace $0xD0000000  }
0x3: {  	_ = 	snop  }
0x4: {  	_ = 	snop  }
0x5: {  	_ = 	snop  }
0x6: {  	_ = 	snop  }
0x7: {  	_ = 	snop  }
__scs_overlays_trampoline_lowered:
0x8: {  	[smem:$0x3FAD] =	sst s0  }
0x9: {  	[smem:$0x3FAE] =	sst s1  }
0xa: {  	[smem:$0x3FAF] =	sst s2  }
0xb: {  	[smem:$0x3FB0] =	sst s3  }
0xc: {  	[smem:$0x3FB1] =	sst s4  }
0xd: {  	[smem:$0x3FB2] =	sst s5  }
0xe: {  	[smem:$0x3FB3] =	sst s6  }
0xf: {  	[smem:$0x3FB4] =	sst s7  }
0x10: {  	[smem:$0x3FB5] =	sst s8  }
0x11: {  	[smem:$0x3FB6] =	sst s9;
	s0 =	simm.s32 @!p0 $0x0  }
0x12: {  	s1 =	sld [smem:$0x3F9C];
	s0 =	simm.s32 @p0 $0x1  }
0x13: {  	[smem:$0x3FB7] =	sst s0;
	s0 =	simm.s32 @!p1 $0x0  }
0x14: {  	s2 =	sld [smem:$0x3F9B];
	s0 =	simm.s32 @p1 $0x1  }
0x15: {  	[smem:$0x3FB8] =	sst s0;
	s0 =	simm.s32 @!p2 $0x0  }
0x16: {  	s3 =	sld [smem:$0x3FDB];
	s0 =	simm.s32 @p2 $0x1  }
0x17: {  	s4 =	simm.s32 $0x1BF5;
	[smem:$0x3FBA] =	sst s0  }
0x18: {  	s0 =	sld [smem:$0x3F9D];
	_ =	swait.ge [sflag:s4], $0x0  }
0x19: {  	s7 =	sld [smem:$0x3F9E]  }
0x1a: {  	s8 =	sadd.s32 $0xFFFFE003, lr  }
0x1b: {  	s9 =	sadd.s32 $0xFFFFFEF7, lr;
	s5 =	simm.s32 $0xFFFFFFFF;
	p2 =	slt.u32 s8, $0xFFFFF086  }
0x1c: {  	p1 =	slt.u32 s9, $0xF7A;
	s5 =	simm.s32 @!p2 $0x0  }
0x1d: {  	s5 =	simm.s32 @p1 $0x1;
	p0 =	seq.s32 s7, s2  }
0x1e: {  	s7 =	smul.u32 @!p0 $0xF7A, s2;
	p2 =	seq.s32 @!p0 s5, $0x0  }
0x1f: {  	s9 =	smul.u32 $0xF7A, s1;
	s8 =	simm.s32 @!p0 $0x1BF5;
	p2 =	por !p2, p0  }
0x20: {  	[sflag:s8] =	ssyncset.s32 @!p0 $0xFFFFF086;
	s6 =	sadd.s32 @!p0 s3, s7;
	s7 =	simm.s32 @!p0 $0x108  }
0x21: {  	s3 =	sadd.s32 s3, s9;
	s6 =	sadd.s32 @!p0 $0x88, s6;
	s7 =	simm.s32 @p2 $0x1082  }
0x22: {  	[simem:s7], [sflag:s8] =	dma.local @!p0 [hbm:s6], $0xF7A  }
0x23: {  	s9 =	sor.u32 $0xD0000000, s2;
	s6 =	simm.s32 $0x108;
	_ =	swait.ge @!p0 [sflag:s8], $0x0  }
0x24: {  	s3 =	sadd.s32 $0x88, s3;
	s6 =	simm.s32 @!p1 $0x1082;
	[sflag:s4] =	ssyncset.s32 $0xFFFFF086  }
0x25: {  	[simem:s6], [sflag:s4] =	dma.local [hbm:s3], $0xF7A  }
0x26: {  	[smem:$0x3F9E] =	sst s1;
	(tag) =	ssettag s2;
	_ =	strace s9  }
0x27: {  	s1 =	sld [smem:$0x3FAE]  }
0x28: {  	s2 =	sld [smem:$0x3FAF]  }
0x29: {  	s4 =	sld [smem:$0x3FB1]  }
0x2a: {  	p0 =	seq.s32 s5, $0x0;
	s5 =	sld [smem:$0x3FB2]  }
0x2b: {  	s6 =	sld [smem:$0x3FB3]  }
0x2c: {  	s7 =	sld [smem:$0x3FB4]  }
0x2d: {  	s3 =	simm.s32 $0x108;
	s8 =	sld [smem:$0x3FB5]  }
0x2e: {  	s3 =	simm.s32 @!p0 $0x1082;
	s9 =	sld [smem:$0x3FB6]  }
0x2f: {  	lr =	sadd.s32 s0, s3;
	s0 =	sld [smem:$0x3FAD]  }
0x30: {  	s3 =	sld [smem:$0x3FB0]  }
0x31: {  	[smem:$0x3FB9] =	sst s10  }
0x32: {  	s10 =	sld [smem:$0x3FB7];
	_ =	sdelay $0x3  }
0x33: {  	p0 =	seq.s32 s10, $0x1;
	s10 =	sld [smem:$0x3FB9];
	_ =	sdelay $0x3  }
0x34: {  	[smem:$0x3FB9] =	sst s10  }
0x35: {  	s10 =	sld [smem:$0x3FB8];
	_ =	sdelay $0x3  }
0x36: {  	p1 =	seq.s32 s10, $0x1;
	s10 =	sld [smem:$0x3FB9];
	_ =	sdelay $0x3  }
0x37: {  	[smem:$0x3FB9] =	sst s10  }
0x38: {  	s10 =	sld [smem:$0x3FBA]  }
0x39: {  	_ = 	snop;
	(pc) =	sbr.ind lr, $3  }
0x3a: {  	_ = 	snop  }
0x3b: {  	_ = 	snop  }
0x3c: {  	p2 =	seq.s32 s10, $0x1;
	s10 =	sld [smem:$0x3FB9]  }
0x3d: {  	_ =	shalt  }
0x3e: {  	_ =	shalt  }
0x3f: {  	_ =	shalt  }
0x40: {  	_ =	shalt  }
0x41: {  	_ =	shalt  }
0x42: {  	_ =	shalt  }
0x43: {  	_ =	shalt  }
0x44: {  	_ =	shalt  }
0x45: {  	_ =	shalt  }
0x46: {  	_ =	shalt  }
0x47: {  	_ =	shalt  }
0x48: {  	_ =	shalt  }
0x49: {  	_ =	shalt  }
0x4a: {  	_ =	shalt  }
0x4b: {  	_ =	shalt  }
0x4c: {  	_ =	shalt  }
0x4d: {  	_ =	shalt  }
0x4e: {  	_ =	shalt  }
0x4f: {  	_ =	shalt  }
0x50: {  	_ =	shalt  }
0x51: {  	_ =	shalt  }
0x52: {  	_ =	shalt  }
0x53: {  	_ =	shalt  }
0x54: {  	_ =	shalt  }
0x55: {  	_ =	shalt  }
0x56: {  	_ =	shalt  }
0x57: {  	_ =	shalt  }
0x58: {  	_ =	shalt  }
0x59: {  	_ =	shalt  }
0x5a: {  	_ =	shalt  }
0x5b: {  	_ =	shalt  }
0x5c: {  	_ =	shalt  }
0x5d: {  	_ =	shalt  }
0x5e: {  	_ =	shalt  }
0x5f: {  	_ =	shalt  }
0x60: {  	_ =	shalt  }
0x61: {  	_ =	shalt  }
0x62: {  	_ =	shalt  }
0x63: {  	_ =	shalt  }
0x64: {  	_ =	shalt  }
0x65: {  	_ =	shalt  }
0x66: {  	_ =	shalt  }
0x67: {  	_ =	shalt  }
0x68: {  	_ =	shalt  }
0x69: {  	_ =	shalt  }
0x6a: {  	_ =	shalt  }
0x6b: {  	_ =	shalt  }
0x6c: {  	_ =	shalt  }
0x6d: {  	_ =	shalt  }
0x6e: {  	_ =	shalt  }
0x6f: {  	_ =	shalt  }
0x70: {  	_ =	shalt  }
0x71: {  	_ =	shalt  }
0x72: {  	_ =	shalt  }
0x73: {  	_ =	shalt  }
0x74: {  	_ =	shalt  }
0x75: {  	_ =	shalt  }
0x76: {  	_ =	shalt  }
0x77: {  	_ =	shalt  }
0x78: {  	_ =	shalt  }
0x79: {  	_ =	shalt  }
0x7a: {  	_ =	shalt  }
0x7b: {  	_ =	shalt  }
0x7c: {  	_ =	shalt  }
0x7d: {  	_ =	shalt  }
0x7e: {  	_ =	shalt  }
0x7f: {  	_ =	shalt  }
0x80: {  	_ =	shalt  }
0x81: {  	_ =	shalt  }
0x82: {  	_ =	shalt  }
0x83: {  	_ =	shalt  }
0x84: {  	_ =	shalt  }
0x85: {  	_ =	shalt  }
0x86: {  	_ =	shalt  }
0x87: {  	_ =	shalt  }
.Lfunc_end0:
.L_simem_size_0:
called_computation.1_lowered:
.L_overlay_start_0:
0x88: {  	s2 =	sld [smem:$0x3FD9]  }
0x89: {  	s3 =	sld [smem:$0x3FFE];
	_ =	sdelay $0x1  }
0x8a: {  	s1 =	srdreg.scid  }
0x8b: {  	s0 =	sand.u32 $0x1, s1  }
0x8c: {  	s14 =	sshll.u32 s0, $0xA;
	s2 =	sadd.s32 s3, s2  }
0x8d: {  	s2 =	sadd.s32 s2, s14  }
0x8e: {  	[smem:$0x3FC5] =	sst s2  }
0x8f: {  	_ = 	snop  }
0x90: {  	s2 =	sld [smem:$0x3FD0];
	_ =	sdelay $0x2  }
0x91: {  	s4 =	simm.s32 $0xA;
	s5 =	simm.s32 $0x10;
	s15 =	sld [smem:$0x3FC9]  }
0x92: {  	[smem:s5], [sflag:s4] =	dma.local [hbm:s2], $0x1  }
0x93: {  	_ =	swait.eq [sflag:s4], $0x1  }
0x94: {  	[sflag:s4] =	ssyncset.done $0x0  }
0x95: {  	s16 =	sld [smem:$0x13];
	[sflag:s4] =	ssyncadd.s32 $0xFFFFFFFF  }
0x96: {  	s17 =	sld [smem:$0x14];
	(tm) =	ssettm $0x1  }
0x97: {  	s18 =	sld [smem:$0x3FFB];
	_ =	sdelay $0x3  }
0x98: {  	_ =	strace s18  }
0x99: {  	s5 =	sld [smem:$0x3FFC];
	_ =	sdelay $0x3  }
0x9a: {  	_ =	strace s5  }
0x9b: {  	s5 =	sld [smem:$0x3FFD];
	_ =	sdelay $0x3  }
0x9c: {  	_ =	strace s5  }
0x9d: {  	_ =	strace $0x8FFFFFFF  }
0x9e: {  	s19 =	sld [smem:$0x3FDB];
	_ =	sdelay $0x1  }
0x9f: {  	s6 =	simm.s32 $_scs_section_size  }
0xa0: {  	s7 =	simm.s32 $_size__tile_overlayer_lowered;
	s8 =	simm.s32 $_tile_overlayer_lowered  }
0xa1: {  	s22 =	simm.s32 $0x1BFF;
	s21 =	sshll.u32 s8, $0x1;
	s5 =	sadd.s32 s6, s19  }
0xa2: {  	s9 =	simm.s32 $0x0;
	s20 =	sshll.u32 s7, $0x1;
	s7 =	sadd.s32 s21, s5  }
0xa3: {  	[timem:s9], [sflag:s22] =	dma.local [hbm:s7], s20  }
0xa4: {  	_ =	swait.ge [sflag:s22], s20  }
0xa5: {  	s6 =	ssub.s32 $0x0, s20;
	[sflag:s22] =	ssyncset.done $0x0  }
0xa6: {  	[sflag:s22] =	ssyncadd.s32 s6;
	_ =	sdelay $0x1  }
0xa7: {  	s23 =	simm.s32 $0x1B8B  }
0xa8: {  	_ =	swait.ge [sflag:s23], $0x1  }
0xa9: {  	[sflag:s23] =	ssyncset.done $0x0  }
0xaa: {  	s25 =	simm.s32 $0x1B8E;
	s24 =	sld [smem:$0x3FFE];
	[sflag:s23] =	ssyncadd.s32 $0xFFFFFFFF  }
0xab: {  	s26 =	simm.s32 $execute0_lowered;
	[smem:$0x3FD2] =	sst s25  }
0xac: {  	s7 =	sshll.u32 s26, $0x1;
	_ =	strace $0x80000049;
	[dreg:$0x1] =	wrdreg $0xFFFFFFFF  }
0xad: {  	s28 =	simm.s32 $_size_execute0_lowered;
	s5 =	sadd.s32 s5, s7;
	[dreg:$0x0] =	wrdreg $0x0  }
0xae: {  	s7 =	sshll.u32 s28, $0x1;
	[dreg:$0x2] =	wrdreg s5  }
0xaf: {  	[dreg:$0x3] =	wrdreg s7  }
0xb0: {  	[dreg:$0x4] =	wrdreg $0xC0  }
0xb1: {  	_ =	task [dreg:s9], $0x5FFFF  }
0xb2: {  	[dreg:$0x1] =	wrdreg $0xFFFFFFFF  }
0xb3: {  	[dreg:$0x0] =	wrdreg $0x60  }
0xb4: {  	[dreg:$0x2] =	wrdreg s15  }
0xb5: {  	[dreg:$0x3] =	wrdreg s24  }
0xb6: {  	[dreg:$0x4] =	wrdreg s16  }
0xb7: {  	[dreg:$0x5] =	wrdreg s17  }
0xb8: {  	[dreg:$0x6] =	wrdreg $0x9  }
0xb9: {  	_ =	task.clear_ibuf [dreg:s9], $0x7FFFF;
	_ =	strace $0x90000049  }
0xba: {  	s29 =	simm.s32 $0x9;
	_ =	strace $0x8000004B  }
0xbb: {  	_ =	swait.ge [sflag:s29], $0x1  }
0xbc: {  	[sflag:s29] =	ssyncadd.s32 $0xFFFFFFFF  }
0xbd: {  	_ =	strace $0x9000004B  }
0xbe: {  	_ =	sfence  }
0xbf: {  	s30 =	sld [smem:$0x0];
	_ =	sdelay $0x2  }
0xc0: {  	s31 =	sshll.u32 s1, $0xD;
	s1 =	sshrl.u32 s1, $0x2  }
0xc1: {  	s3 =	sand.u32 $0x4000, s31;
	s1 =	sadd.s32 s1, s30  }
0xc2: {  	s0 =	sor.u32 s3, s0;
	s1 =	sshll.u32 s1, $0x11  }
0xc3: {  	s0 =	sor.u32 s1, s0  }
0xc4: {  	s0 =	sadd.s32 $0x8F2B, s0  }
0xc5: {  	[sflag:s0] =	ssyncadd.remote.s32 $0x1  }
0xc6: {  	_ =	sfence.sel $0xFFFF  }
0xc7: {  	[dreg:$0x0] =	wrdreg $0xFFFFFFFF;
	(pc) =	sbr.abs _section_cstart, $3  }
0xc8: {  	[dreg:$0x1] =	wrdreg $0xFFFFFFFF  }
0xc9: {  	_ =	task.clear_ibuf [dreg:s9], $0x2FFFF;
	_ =	strace $0x9FFFFFFF  }
0xca: {  	(tm) =	ssettm $0x7FFFFFFF  }
0xcb: {  	_ =	shalt  }
tec
execute0_lowered:
.L_overlay_start_1:
0x0: {  	(tag) =	ssettag $0x1  }
0x1: {  	s5 =	rddreg [dreg:$0x0]  }
0x2: {  	s6 =	rddreg [dreg:$0x1]  }
0x3: {  	s7 =	rddreg [dreg:$0x2]  }
0x4: {  	s8 =	rddreg [dreg:$0x3]  }
0x5: {  	s0 =	rddreg [dreg:$0x4]  }
0x6: {  	s2 =	simm.s32 $0x0;
	s3 =	srdreg.scid;
	s1 =	stileid.u32  }
0x7: {  	s16 =	simm.s32 $0x1080;
	s17 =	simm.s32 $0x1880;
	s18 =	simm.s32 $0x9880  }
0x8: {  	s19 =	simm.s32 $0x2;
	s20 =	simm.s32 $0x3;
	s21 =	simm.s32 $0x4  }
0x9: {  	s22 =	simm.s32 $0x0;
	[smem:$0x7FF] =	sst s2;
	s9 =	sand.u32 $0x1, s3  }
0xa: {  	s4 =	sshll.u32 s1, $0x1;
	s3 =	sadd.s32 $0x1800, s6;
	_ =	strace $0x8000004A  }
0xb: {  	s10 =	sor.u32 s9, s4;
	s4 =	sadd.s32 $0x32600, s6;
	s9 =	ssub.s32 $0x2, s9  }
0xc: {  	s11 =	sshll.u32 s10, $0x8;
	s13 =	sshll.u32 s10, $0xC;
	s14 =	sshrl.u32 s9, $0x1  }
0xd: {  	s31 =	sshll.u32 s10, $0x4;
	s12 =	sadd.s32 s11, s6;
	s15 =	sadd.s32 s13, s6  }
0xe: {  	s14 =	ssub.s32 s9, s14;
	s5 =	sadd.s32 s5, s31;
	s6 =	sadd.s32 s7, s11  }
0xf: {  	s8 =	sadd.s32 s8, s13;
	s11 =	simm.s32 $0x5;
	s13 =	simm.s32 $0x880  }
0x10: {  	s7 =	sadd.s32 $0x83400, s12;
	s9 =	sadd.s32 $0x63400, s15;
	s10 =	smax.u32 s14, $0x1  }
0x11: {  	s12 =	simm.s32 $0x80;
	s14 =	simm.s32 $0x1;
	s15 =	simm.s32 $0x800  }
.LBB2_1:
0x12: {  	[tilespmem:s2], [sflag:$0x5] =	stream.linear.gather [hbm4b:s5+s2], $0x80, $0x38;
	[tilespmem:$0x11880] =	vst v63  }
0x13: {  	_ =	swait.ge [sflag:s11], $0x80  }
0x14: {  	[sflag:s11] =	ssyncset.done $0x0  }
0x15: {  	[sflag:s11] =	ssyncadd.s32 $0xFFFFFF80  }
0x16: {  	[tilespmem:s12], [sflag:$0x1] =	stream.indirect.gather [hbm4b:s3+s12], $0x10, s2, s12, $0xb8;
	[tilespmem:$0x11880] =	vst v63  }
0x17: {  	_ = 	snop  }
0x18: {  	[tilespmem:s13], [sflag:$0x2] =	stream.indirect.gather [hbm4b:s4+s12], $0x10, s2, s12, $0xb8;
	[tilespmem:$0x11880] =	vst v63  }
0x19: {  	_ =	swait.ge [sflag:s14], $0x800  }
0x1a: {  	[sflag:s14] =	ssyncset.done $0x0  }
0x1b: {  	s23 =	simm.s32 $0x0;
	[sflag:s14] =	ssyncadd.s32 $0xFFFFF800  }
0x1c: {  	s24 =	simm.s32 $0x40;
	v0 =	vld [tilespmem:s23+$0x80]  }
.LBB2_2:
0x1d: {  	p0 =	sne.s32 s24, $0x1FC0  }
.Ltmp0:
0x1e: {  	_ = 	snop;
	(pc) =	sbr.rel @p0 .LBB2_2-.Ltmp0, $3  }
0x1f: {  	_ =	sdelay $0x1  }
0x20: {  	[tilespmem:s23+$0x1080] =	vst v0;
	s23 =	sshra.s32 s24, $0x2;
	s24 =	sadd.s32 $0x40, s24  }
0x21: {  	v0 =	vld [tilespmem:s23+$0x80]  }
0x22: {  	_ =	sdelay $0x3  }
0x23: {  	[tilespmem:s23+$0x1080] =	vst v0  }
0x24: {  	[tilespmem:s17], [sflag:$0x3] =	stream.indirect.gather [hbm4b:s3+s15], $0x10, s16, s15, $0xb8;
	[tilespmem:$0x11880] =	vst v63  }
0x25: {  	_ = 	snop  }
0x26: {  	[tilespmem:s18], [sflag:$0x4] =	stream.indirect.gather [hbm4b:s4+s15], $0x10, s16, s15, $0xb8;
	[tilespmem:$0x11880] =	vst v63  }
0x27: {  	_ = 	snop  }
0x28: {  	[hbm4b:s6+s2] =	stream.linear.scatter [tilespmem:s12], [sflag:$0x5], $0x800, $0x38;
	[tilespmem:$0x11880] =	vst v63  }
0x29: {  	_ =	swait.ge [sflag:s11], $0x800  }
0x2a: {  	[sflag:s11] =	ssyncset.done $0x0  }
0x2b: {  	[sflag:s11] =	ssyncadd.s32 $0xFFFFF800  }
0x2c: {  	_ =	swait.ge [sflag:s19], $0x800  }
0x2d: {  	[sflag:s19] =	ssyncset.done $0x0  }
0x2e: {  	[sflag:s19] =	ssyncadd.s32 $0xFFFFF800  }
0x2f: {  	[hbm4b:s7+s2] =	stream.linear.scatter [tilespmem:s13], [sflag:$0x5], $0x800, $0x38;
	[tilespmem:$0x11880] =	vst v63  }
0x30: {  	_ =	swait.ge [sflag:s11], $0x800  }
0x31: {  	[sflag:s11] =	ssyncset.done $0x0  }
0x32: {  	[sflag:s11] =	ssyncadd.s32 $0xFFFFF800  }
0x33: {  	_ =	swait.ge [sflag:s20], $0x8000  }
0x34: {  	[sflag:s20] =	ssyncset.done $0x0  }
0x35: {  	[sflag:s20] =	ssyncadd.s32 $0xFFFF8000  }
0x36: {  	[hbm4b:s8+s2] =	stream.linear.scatter [tilespmem:s17], [sflag:$0x5], $0x8000, $0x38;
	[tilespmem:$0x11880] =	vst v63  }
0x37: {  	_ =	swait.ge [sflag:s11], $0x8000  }
0x38: {  	[sflag:s11] =	ssyncset.done $0x0  }
0x39: {  	[sflag:s11] =	ssyncadd.s32 $0xFFFF8000  }
0x3a: {  	s22 =	sadd.s32 $0x1, s22;
	_ =	swait.ge [sflag:s21], $0x8000  }
0x3b: {  	p0 =	sne.s32 s22, s10;
	[sflag:s21] =	ssyncset.done $0x0  }
.Ltmp1:
0x3c: {  	[sflag:s21] =	ssyncadd.s32 $0xFFFF8000;
	(pc) =	sbr.rel @p0 .LBB2_1-.Ltmp1, $4  }
0x3d: {  	[hbm4b:s9+s2] =	stream.linear.scatter [tilespmem:s18], [sflag:$0x5], $0x8000, $0x38;
	[tilespmem:$0x11880] =	vst v63  }
0x3e: {  	_ =	swait.ge [sflag:s11], $0x8000  }
0x3f: {  	[sflag:s11] =	ssyncset.done $0x0  }
0x40: {  	[sflag:s11] =	ssyncadd.s32 $0xFFFF8000  }
0x41: {  	_ =	sfence.sel $0x180000  }
0x42: {  	[bflag:$0x0] =	sbarrier.arrive $0xFFFF  }
0x43: {  	p0 =	sne.s32 s1, $0x0;
	_ =	strace $0x9000004A  }
0x44: {  	s0 =	sadd.s32 @!p0 $0x100000, s0;
	[bflag:$0x2] =	sbarrier.arrive $0xFFFF  }
0x45: {  	[sflag:s0] =	ssyncadd.tile.s32 @!p0 $0x1;
	_ =	shalt  }
.Lfunc_end2:
_tile_overlayer_lowered:
.L_overlay_start_2:
0x46: {  	(tag) =	ssettag $0x2  }
0x47: {  	s0 =	rddreg [dreg:$0x0];
	s2 =	stileid.u32  }
0x48: {  	s1 =	rddreg [dreg:$0x1];
	p0 =	sne.s32 s2, $0x0  }
0x49: {  	s3 =	rddreg [dreg:$0x2];
	[bflag:$0x3] =	sbarrier.arrive $0xFFFF;
	s2 =	simm.s32 @!p0 $0x1C05  }
0x4a: {  	[timem:s3], [sflag:s2] =	dma.local @!p0 [hbm:s0], s1  }
0x4b: {  	s0 =	simm.s32 @!p0 $0x5  }
0x4c: {  	_ =	swait.ge @!p0 [sflag:s0], s1  }
0x4d: {  	s1 =	ssub.s32 @!p0 $0x0, s1;
	[sflag:s0] =	ssyncset.done @!p0 $0x0  }
0x4e: {  	[sflag:s0] =	ssyncadd.s32 @!p0 s1  }
0x4f: {  	[bflag:$0x3] =	sbarrier.arrive $0xFFFF  }
0x50: {  	_ =	shalt  }

</sc_bundles>
